<compile_context>
chip_gen: v7x
topology: tpu7x:2x2x1
jax: 0.10.2.dev20260603
libtpu: 0.0.44.dev20260713+nightly
codegen_flags: <defaults>
</compile_context>

<pallas_src>
import functools
import math

import jax
import jax.numpy as jnp
from jax import lax
from jax.experimental import pallas as pl
from jax.experimental.pallas import tpu as pltpu
from jax.experimental.pallas import tpu_sc as plsc

D_MODEL = 64
PADDED = 128
SCALE = math.sqrt(D_MODEL)
NUM_CORES = 2
NUM_SUBCORES = 16
NUM_WORKERS = NUM_CORES * NUM_SUBCORES
LANES = 16
NBUF = 2
CHUNK = 128


@functools.lru_cache(maxsize=None)
def _build(n_tok: int):
    per_w = n_tok // NUM_WORKERS
    n_chunks = per_w // CHUNK
    assert per_w * NUM_WORKERS == n_tok and n_chunks * CHUNK == per_w

    mesh = plsc.VectorSubcoreMesh(
        core_axis_name="c", subcore_axis_name="s",
        num_cores=NUM_CORES, num_subcores=NUM_SUBCORES,
    )

    @functools.partial(
        pl.kernel,
        out_type=jax.ShapeDtypeStruct((n_tok, D_MODEL), jnp.float32),
        mesh=mesh,
        compiler_params=pltpu.CompilerParams(use_tc_tiling_on_sc=True),
        scratch_types=[
            pltpu.VMEM((per_w,), jnp.int32),
            pltpu.VMEM((NBUF, CHUNK, PADDED), jnp.float32),
            pltpu.VMEM((NBUF, CHUNK, D_MODEL), jnp.float32),
            pltpu.SemaphoreType.DMA((NBUF,)),
            pltpu.SemaphoreType.DMA((NBUF,)),
        ],
    )
    def emb(idx_hbm, table_hbm, out_hbm, idx_v, ibuf, obuf, gsem, osem):
        wid = lax.axis_index("s") * NUM_CORES + lax.axis_index("c")
        base = wid * per_w

        pltpu.sync_copy(idx_hbm.at[pl.ds(base, per_w)], idx_v)

        def start_gather(i, b):
            pltpu.async_copy(table_hbm.at[idx_v.at[pl.ds(i * CHUNK, CHUNK)]],
                             ibuf.at[b], gsem.at[b])

        def wait_gather(i, b):
            pltpu.make_async_copy(table_hbm.at[idx_v.at[pl.ds(i * CHUNK, CHUNK)]],
                                  ibuf.at[b], gsem.at[b]).wait()

        def scale(b):
            def row(t, c):
                for j in range(D_MODEL // LANES):
                    sl = pl.ds(j * LANES, LANES)
                    obuf[b, t, sl] = ibuf[b, t, sl] * SCALE
                return c
            lax.fori_loop(0, CHUNK, row, 0)

        def start_write(i, b):
            pltpu.async_copy(obuf.at[b],
                             out_hbm.at[pl.ds(base + i * CHUNK, CHUNK)],
                             osem.at[b])

        def wait_write(i, b):
            pltpu.make_async_copy(obuf.at[b],
                                  out_hbm.at[pl.ds(base + i * CHUNK, CHUNK)],
                                  osem.at[b]).wait()

        for b in range(NBUF):
            start_gather(b, b)

        for b in range(NBUF):
            wait_gather(b, b)
            scale(b)
            start_gather(b + NBUF, b)
            start_write(b, b)

        n_groups = n_chunks // NBUF
        assert n_groups * NBUF == n_chunks and n_groups >= 3

        @pl.loop(1, n_groups - 1)
        def group(g):
            for b in range(NBUF):
                i = g * NBUF + b
                wait_gather(i, b)
                wait_write(i - NBUF, b)
                scale(b)
                start_gather(i + NBUF, b)
                start_write(i, b)

        for b in range(NBUF):
            i = (n_groups - 1) * NBUF + b
            wait_gather(i, b)
            wait_write(i - NBUF, b)
            scale(b)
            start_write(i, b)

        for b in range(NBUF):
            i = (n_groups - 1) * NBUF + b
            wait_write(i, b)

    return emb


def kernel(token_id_tensor, embedding_table):
    b, s = token_id_tensor.shape
    idx = token_id_tensor.astype(jnp.int32).reshape(b * s)
    tab = jnp.pad(embedding_table, ((0, 0), (0, PADDED - D_MODEL)))
    out = _build(b * s)(idx, tab)
    return out.reshape(b, s, D_MODEL)

# --- scband reference (transcript-rebuilt; emitter-appended) ---
"""Pipeline reference for scband-word-embedding-30932354466039 (READ-ONLY COPY).

The authoritative reference and input builder live on the scoring server;
editing this copy changes nothing except your own understanding.
"""

import jax, jax.numpy as jnp
import numpy as np
import math

NUM_EMBEDDINGS = 1000000
D_MODEL = 64

def setup_inputs(seed: int = 0) -> dict:
    key = jax.random.key(seed)
    k1, k2 = jax.random.split(key)
    token_id_tensor = jax.random.randint(k1, (4096, 200), 0, NUM_EMBEDDINGS, dtype=jnp.int64 if jax.config.jax_enable_x64 else jnp.int32)
    embedding_table = jax.random.normal(k2, (NUM_EMBEDDINGS, D_MODEL), dtype=jnp.float32)
    return {"token_id_tensor": token_id_tensor, "embedding_table": embedding_table}

def reference(token_id_tensor, embedding_table):
    # nn.Embedding lookup followed by sqrt(d_model) scaling
    emb = jnp.take(embedding_table, token_id_tensor, axis=0)
    return emb * math.sqrt(D_MODEL)

if __name__ == "__main__":
    import jax
    _d = setup_inputs()
    print(jax.jit(kernel)(*tuple(_d.values())))

</pallas_src>

<mosaic_0001>
#map = affine_map<(d0, d1) -> (0)>
#map1 = affine_map<(d0, d1) -> (0, 0)>
module attributes {stable_mosaic.version = 14 : i64} {
  func.func @emb(%arg0: i32, %arg1: i32, %arg2: memref<819200xi32, #tpu.memory_space<hbm>>, %arg3: memref<1000000x128xf32, #tpu.memory_space<hbm>>, %arg4: memref<819200x64xf32, #tpu.memory_space<hbm>>, %arg5: memref<25600xi32, #tpu.memory_space<vmem>>, %arg6: memref<2x128x128xf32, #tpu.memory_space<vmem>>, %arg7: memref<2x128x64xf32, #tpu.memory_space<vmem>>, %arg8: memref<2x!tpu.dma_semaphore, #tpu.memory_space<semaphore_mem>>, %arg9: memref<2x!tpu.dma_semaphore, #tpu.memory_space<semaphore_mem>>) attributes {dimension_semantics = [#tpu.dimension_semantics<core_parallel>, #tpu.dimension_semantics<subcore_parallel>], iteration_bounds = array<i64: 2, 16>, scalar_prefetch = 0 : i64, scratch_operands = 5 : i64, tpu.core_type = #tpu.core_type<sc_vector_subcore>, window_params = [{transform_indices = #map}, {transform_indices = #map1}, {transform_indices = #map1}]} {
    %mul3A = arith.constant 2 : i32
    %mul3A_0 = arith.muli %arg1, %mul3A : i32
    %add3A = arith.addi %mul3A_0, %arg0 : i32
    %mul3A_1 = arith.constant 25600 : i32
    %mul3A_2 = arith.muli %add3A, %mul3A_1 : i32
    "tpu.region"() ({
      %run_scoped3A = tpu.sem_alloc : memref<!tpu.dma_semaphore, #tpu.memory_space<semaphore_mem>>
      %dma_start3A_277 = tpu.memref_slice %arg2[%mul3A_2] : memref<819200xi32, #tpu.memory_space<hbm>> -> memref<25600xi32, #tpu.memory_space<hbm>>
      %dma_start3A_278 = tpu.memref_slice %arg2[%mul3A_2] : memref<819200xi32, #tpu.memory_space<hbm>> -> memref<25600xi32, #tpu.memory_space<hbm>>
      tpu.enqueue_dma source(%dma_start3A_278 : memref<25600xi32, #tpu.memory_space<hbm>>) target(%arg5 : memref<25600xi32, #tpu.memory_space<vmem>>) target_semaphore(%run_scoped3A : memref<!tpu.dma_semaphore, #tpu.memory_space<semaphore_mem>>)
      %dma_wait3A_279 = tpu.memref_slice %arg2[%mul3A_2] : memref<819200xi32, #tpu.memory_space<hbm>> -> memref<25600xi32, #tpu.memory_space<hbm>>
      %dma_wait3A_280 = tpu.memref_slice %arg2[%mul3A_2] : memref<819200xi32, #tpu.memory_space<hbm>> -> memref<25600xi32, #tpu.memory_space<hbm>>
      tpu.wait_dma2 semaphore(%run_scoped3A : memref<!tpu.dma_semaphore, #tpu.memory_space<semaphore_mem>>) src(%dma_wait3A_280 : memref<25600xi32, #tpu.memory_space<hbm>>) dst(%arg5 : memref<25600xi32, #tpu.memory_space<vmem>>)
      tpu.yield
    }) : () -> ()
    %dma_start3A = arith.constant 0 : i32
    %dma_start3A_3 = arith.constant 0 : i32
    %dma_start3A_4 = arith.constant 0 : i32
    %dma_start3A_5 = arith.constant 0 : i32
    %dma_start3A_6 = tpu.memref_slice %arg6[%dma_start3A, %dma_start3A_4, %dma_start3A_5] : memref<2x128x128xf32, #tpu.memory_space<vmem>> -> memref<1x128x128xf32, #tpu.memory_space<vmem>>
    %dma_start3A_7 = tpu.memref_squeeze %dma_start3A_6 : memref<1x128x128xf32, #tpu.memory_space<vmem>> -> memref<128x128xf32, #tpu.memory_space<vmem>>
    %dma_start3A_8 = arith.constant 0 : i32
    %dma_start3A_9 = tpu.memref_slice %arg5[%dma_start3A_8] : memref<25600xi32, #tpu.memory_space<vmem>> -> memref<128xi32, #tpu.memory_space<vmem>>
    %dma_start3A_10 = arith.constant 0 : i32
    %dma_start3A_11 = arith.constant 0 : i32
    %dma_start3A_12 = tpu.memref_slice %arg3[%dma_start3A_10, %dma_start3A_11] : memref<1000000x128xf32, #tpu.memory_space<hbm>> -> memref<1000000x128xf32, #tpu.memory_space<hbm>>
    %dma_start3A_13 = tpu.memref_slice %arg8[%dma_start3A_3] : memref<2x!tpu.dma_semaphore, #tpu.memory_space<semaphore_mem>> -> memref<1x!tpu.dma_semaphore, #tpu.memory_space<semaphore_mem>>
    %dma_start3A_14 = tpu.memref_squeeze %dma_start3A_13 : memref<1x!tpu.dma_semaphore, #tpu.memory_space<semaphore_mem>> -> memref<!tpu.dma_semaphore, #tpu.memory_space<semaphore_mem>>
    tpu.enqueue_indirect_dma source(%dma_start3A_12 : memref<1000000x128xf32, #tpu.memory_space<hbm>>) target(%dma_start3A_7 : memref<128x128xf32, #tpu.memory_space<vmem>>) offsets(%dma_start3A_9 : memref<128xi32, #tpu.memory_space<vmem>>) semaphore(%dma_start3A_14 : memref<!tpu.dma_semaphore, #tpu.memory_space<semaphore_mem>>)
    %dma_start3A_15 = arith.constant 1 : i32
    %dma_start3A_16 = arith.constant 1 : i32
    %dma_start3A_17 = arith.constant 0 : i32
    %dma_start3A_18 = arith.constant 0 : i32
    %dma_start3A_19 = tpu.memref_slice %arg6[%dma_start3A_15, %dma_start3A_17, %dma_start3A_18] : memref<2x128x128xf32, #tpu.memory_space<vmem>> -> memref<1x128x128xf32, #tpu.memory_space<vmem>>
    %dma_start3A_20 = tpu.memref_squeeze %dma_start3A_19 : memref<1x128x128xf32, #tpu.memory_space<vmem>> -> memref<128x128xf32, #tpu.memory_space<vmem>>
    %dma_start3A_21 = arith.constant 128 : i32
    %dma_start3A_22 = tpu.memref_slice %arg5[%dma_start3A_21] : memref<25600xi32, #tpu.memory_space<vmem>> -> memref<128xi32, #tpu.memory_space<vmem>>
    %dma_start3A_23 = arith.constant 0 : i32
    %dma_start3A_24 = arith.constant 0 : i32
    %dma_start3A_25 = tpu.memref_slice %arg3[%dma_start3A_23, %dma_start3A_24] : memref<1000000x128xf32, #tpu.memory_space<hbm>> -> memref<1000000x128xf32, #tpu.memory_space<hbm>>
    %dma_start3A_26 = tpu.memref_slice %arg8[%dma_start3A_16] : memref<2x!tpu.dma_semaphore, #tpu.memory_space<semaphore_mem>> -> memref<1x!tpu.dma_semaphore, #tpu.memory_space<semaphore_mem>>
    %dma_start3A_27 = tpu.memref_squeeze %dma_start3A_26 : memref<1x!tpu.dma_semaphore, #tpu.memory_space<semaphore_mem>> -> memref<!tpu.dma_semaphore, #tpu.memory_space<semaphore_mem>>
    tpu.enqueue_indirect_dma source(%dma_start3A_25 : memref<1000000x128xf32, #tpu.memory_space<hbm>>) target(%dma_start3A_20 : memref<128x128xf32, #tpu.memory_space<vmem>>) offsets(%dma_start3A_22 : memref<128xi32, #tpu.memory_space<vmem>>) semaphore(%dma_start3A_27 : memref<!tpu.dma_semaphore, #tpu.memory_space<semaphore_mem>>)
    %dma_wait3A = arith.constant 0 : i32
    %dma_wait3A_28 = arith.constant 0 : i32
    %dma_wait3A_29 = arith.constant 0 : i32
    %dma_wait3A_30 = arith.constant 0 : i32
    %dma_wait3A_31 = tpu.memref_slice %arg6[%dma_wait3A, %dma_wait3A_29, %dma_wait3A_30] : memref<2x128x128xf32, #tpu.memory_space<vmem>> -> memref<1x128x128xf32, #tpu.memory_space<vmem>>
    %dma_wait3A_32 = tpu.memref_squeeze %dma_wait3A_31 : memref<1x128x128xf32, #tpu.memory_space<vmem>> -> memref<128x128xf32, #tpu.memory_space<vmem>>
    %dma_wait3A_33 = arith.constant 0 : i32
    %dma_wait3A_34 = tpu.memref_slice %arg5[%dma_wait3A_33] : memref<25600xi32, #tpu.memory_space<vmem>> -> memref<128xi32, #tpu.memory_space<vmem>>
    %dma_wait3A_35 = arith.constant 0 : i32
    %dma_wait3A_36 = arith.constant 0 : i32
    %dma_wait3A_37 = tpu.memref_slice %arg3[%dma_wait3A_35, %dma_wait3A_36] : memref<1000000x128xf32, #tpu.memory_space<hbm>> -> memref<1000000x128xf32, #tpu.memory_space<hbm>>
    %dma_wait3A_38 = tpu.memref_slice %arg8[%dma_wait3A_28] : memref<2x!tpu.dma_semaphore, #tpu.memory_space<semaphore_mem>> -> memref<1x!tpu.dma_semaphore, #tpu.memory_space<semaphore_mem>>
    %dma_wait3A_39 = tpu.memref_squeeze %dma_wait3A_38 : memref<1x!tpu.dma_semaphore, #tpu.memory_space<semaphore_mem>> -> memref<!tpu.dma_semaphore, #tpu.memory_space<semaphore_mem>>
    tpu.wait_indirect_dma semaphore(%dma_wait3A_39 : memref<!tpu.dma_semaphore, #tpu.memory_space<semaphore_mem>>) src(%dma_wait3A_37 : memref<1000000x128xf32, #tpu.memory_space<hbm>>) dst(%dma_wait3A_32 : memref<128x128xf32, #tpu.memory_space<vmem>>)
    %scan3A = arith.constant 0 : i32
    %scan3A_40 = arith.constant 0 : i32
    %scan3A_41 = arith.constant 128 : i32
    %scan3A_42 = arith.addi %scan3A_40, %scan3A_41 : i32
    %scan3A_43 = arith.constant 1 : i32
    scf.for %scan3A_277 = %scan3A_40 to %scan3A_42 step %scan3A_43  : i32 {
      %get3A = arith.constant 0 : i32
      %get3A_278 = arith.index_cast %get3A : i32 to index
      %get3A_279 = arith.index_cast %scan3A_277 : i32 to index
      %get3A_280 = arith.constant 0 : index
      %get3A_281 = tpu.vector_load %arg6[%get3A_278, %get3A_279, %get3A_280] {strides = array<i32>} : memref<2x128x128xf32, #tpu.memory_space<vmem>>, vector<1x1x16xf32>,
      %get3A_282 = vector.shape_cast %get3A_281 : vector<1x1x16xf32> to vector<16xf32>
      %mul3A_283 = arith.constant 8.000000e+00 : f32
      %mul3A_284 = vector.broadcast %mul3A_283 : f32 to vector<16xf32>
      %mul3A_285 = arith.mulf %get3A_282, %mul3A_284 : vector<16xf32>
      %swap3A = arith.constant 0 : i32
      %swap3A_286 = arith.index_cast %swap3A : i32 to index
      %swap3A_287 = arith.index_cast %scan3A_277 : i32 to index
      %swap3A_288 = arith.constant 0 : index
      %swap3A_289 = tpu.vector_load %arg7[%swap3A_286, %swap3A_287, %swap3A_288] {strides = array<i32>} : memref<2x128x64xf32, #tpu.memory_space<vmem>>, vector<1x1x16xf32>,
      %swap3A_290 = vector.shape_cast %swap3A_289 : vector<1x1x16xf32> to vector<16xf32>
      %swap3A_291 = vector.shape_cast %mul3A_285 : vector<16xf32> to vector<1x1x16xf32>
      tpu.vector_store %arg7[%swap3A_286, %swap3A_287, %swap3A_288], %swap3A_291 {strides = array<i32>} : memref<2x128x64xf32, #tpu.memory_space<vmem>>, vector<1x1x16xf32>,
      %get3A_292 = arith.constant 0 : i32
      %get3A_293 = arith.index_cast %get3A_292 : i32 to index
      %get3A_294 = arith.index_cast %scan3A_277 : i32 to index
      %get3A_295 = arith.constant 16 : index
      %get3A_296 = tpu.vector_load %arg6[%get3A_293, %get3A_294, %get3A_295] {strides = array<i32>} : memref<2x128x128xf32, #tpu.memory_space<vmem>>, vector<1x1x16xf32>,
      %get3A_297 = vector.shape_cast %get3A_296 : vector<1x1x16xf32> to vector<16xf32>
      %mul3A_298 = arith.constant 8.000000e+00 : f32
      %mul3A_299 = vector.broadcast %mul3A_298 : f32 to vector<16xf32>
      %mul3A_300 = arith.mulf %get3A_297, %mul3A_299 : vector<16xf32>
      %swap3A_301 = arith.constant 0 : i32
      %swap3A_302 = arith.index_cast %swap3A_301 : i32 to index
      %swap3A_303 = arith.index_cast %scan3A_277 : i32 to index
      %swap3A_304 = arith.constant 16 : index
      %swap3A_305 = tpu.vector_load %arg7[%swap3A_302, %swap3A_303, %swap3A_304] {strides = array<i32>} : memref<2x128x64xf32, #tpu.memory_space<vmem>>, vector<1x1x16xf32>,
      %swap3A_306 = vector.shape_cast %swap3A_305 : vector<1x1x16xf32> to vector<16xf32>
      %swap3A_307 = vector.shape_cast %mul3A_300 : vector<16xf32> to vector<1x1x16xf32>
      tpu.vector_store %arg7[%swap3A_302, %swap3A_303, %swap3A_304], %swap3A_307 {strides = array<i32>} : memref<2x128x64xf32, #tpu.memory_space<vmem>>, vector<1x1x16xf32>,
      %get3A_308 = arith.constant 0 : i32
      %get3A_309 = arith.index_cast %get3A_308 : i32 to index
      %get3A_310 = arith.index_cast %scan3A_277 : i32 to index
      %get3A_311 = arith.constant 32 : index
      %get3A_312 = tpu.vector_load %arg6[%get3A_309, %get3A_310, %get3A_311] {strides = array<i32>} : memref<2x128x128xf32, #tpu.memory_space<vmem>>, vector<1x1x16xf32>,
      %get3A_313 = vector.shape_cast %get3A_312 : vector<1x1x16xf32> to vector<16xf32>
      %mul3A_314 = arith.constant 8.000000e+00 : f32
      %mul3A_315 = vector.broadcast %mul3A_314 : f32 to vector<16xf32>
      %mul3A_316 = arith.mulf %get3A_313, %mul3A_315 : vector<16xf32>
      %swap3A_317 = arith.constant 0 : i32
      %swap3A_318 = arith.index_cast %swap3A_317 : i32 to index
      %swap3A_319 = arith.index_cast %scan3A_277 : i32 to index
      %swap3A_320 = arith.constant 32 : index
      %swap3A_321 = tpu.vector_load %arg7[%swap3A_318, %swap3A_319, %swap3A_320] {strides = array<i32>} : memref<2x128x64xf32, #tpu.memory_space<vmem>>, vector<1x1x16xf32>,
      %swap3A_322 = vector.shape_cast %swap3A_321 : vector<1x1x16xf32> to vector<16xf32>
      %swap3A_323 = vector.shape_cast %mul3A_316 : vector<16xf32> to vector<1x1x16xf32>
      tpu.vector_store %arg7[%swap3A_318, %swap3A_319, %swap3A_320], %swap3A_323 {strides = array<i32>} : memref<2x128x64xf32, #tpu.memory_space<vmem>>, vector<1x1x16xf32>,
      %get3A_324 = arith.constant 0 : i32
      %get3A_325 = arith.index_cast %get3A_324 : i32 to index
      %get3A_326 = arith.index_cast %scan3A_277 : i32 to index
      %get3A_327 = arith.constant 48 : index
      %get3A_328 = tpu.vector_load %arg6[%get3A_325, %get3A_326, %get3A_327] {strides = array<i32>} : memref<2x128x128xf32, #tpu.memory_space<vmem>>, vector<1x1x16xf32>,
      %get3A_329 = vector.shape_cast %get3A_328 : vector<1x1x16xf32> to vector<16xf32>
      %mul3A_330 = arith.constant 8.000000e+00 : f32
      %mul3A_331 = vector.broadcast %mul3A_330 : f32 to vector<16xf32>
      %mul3A_332 = arith.mulf %get3A_329, %mul3A_331 : vector<16xf32>
      %swap3A_333 = arith.constant 0 : i32
      %swap3A_334 = arith.index_cast %swap3A_333 : i32 to index
      %swap3A_335 = arith.index_cast %scan3A_277 : i32 to index
      %swap3A_336 = arith.constant 48 : index
      %swap3A_337 = tpu.vector_load %arg7[%swap3A_334, %swap3A_335, %swap3A_336] {strides = array<i32>} : memref<2x128x64xf32, #tpu.memory_space<vmem>>, vector<1x1x16xf32>,
      %swap3A_338 = vector.shape_cast %swap3A_337 : vector<1x1x16xf32> to vector<16xf32>
      %swap3A_339 = vector.shape_cast %mul3A_332 : vector<16xf32> to vector<1x1x16xf32>
      tpu.vector_store %arg7[%swap3A_334, %swap3A_335, %swap3A_336], %swap3A_339 {strides = array<i32>} : memref<2x128x64xf32, #tpu.memory_space<vmem>>, vector<1x1x16xf32>,
    }
    %scan3A_44 = arith.constant 128 : i32
    %dma_start3A_45 = arith.constant 0 : i32
    %dma_start3A_46 = arith.constant 0 : i32
    %dma_start3A_47 = arith.constant 0 : i32
    %dma_start3A_48 = arith.constant 0 : i32
    %dma_start3A_49 = tpu.memref_slice %arg6[%dma_start3A_45, %dma_start3A_47, %dma_start3A_48] : memref<2x128x128xf32, #tpu.memory_space<vmem>> -> memref<1x128x128xf32, #tpu.memory_space<vmem>>
    %dma_start3A_50 = tpu.memref_squeeze %dma_start3A_49 : memref<1x128x128xf32, #tpu.memory_space<vmem>> -> memref<128x128xf32, #tpu.memory_space<vmem>>
    %dma_start3A_51 = arith.constant 256 : i32
    %dma_start3A_52 = tpu.memref_slice %arg5[%dma_start3A_51] : memref<25600xi32, #tpu.memory_space<vmem>> -> memref<128xi32, #tpu.memory_space<vmem>>
    %dma_start3A_53 = arith.constant 0 : i32
    %dma_start3A_54 = arith.constant 0 : i32
    %dma_start3A_55 = tpu.memref_slice %arg3[%dma_start3A_53, %dma_start3A_54] : memref<1000000x128xf32, #tpu.memory_space<hbm>> -> memref<1000000x128xf32, #tpu.memory_space<hbm>>
    %dma_start3A_56 = tpu.memref_slice %arg8[%dma_start3A_46] : memref<2x!tpu.dma_semaphore, #tpu.memory_space<semaphore_mem>> -> memref<1x!tpu.dma_semaphore, #tpu.memory_space<semaphore_mem>>
    %dma_start3A_57 = tpu.memref_squeeze %dma_start3A_56 : memref<1x!tpu.dma_semaphore, #tpu.memory_space<semaphore_mem>> -> memref<!tpu.dma_semaphore, #tpu.memory_space<semaphore_mem>>
    tpu.enqueue_indirect_dma source(%dma_start3A_55 : memref<1000000x128xf32, #tpu.memory_space<hbm>>) target(%dma_start3A_50 : memref<128x128xf32, #tpu.memory_space<vmem>>) offsets(%dma_start3A_52 : memref<128xi32, #tpu.memory_space<vmem>>) semaphore(%dma_start3A_57 : memref<!tpu.dma_semaphore, #tpu.memory_space<semaphore_mem>>)
    %add3A_58 = arith.constant 0 : i32
    %add3A_59 = arith.addi %mul3A_2, %add3A_58 : i32
    %dma_start3A_60 = arith.constant 0 : i32
    %dma_start3A_61 = arith.constant 0 : i32
    %dma_start3A_62 = arith.constant 0 : i32
    %dma_start3A_63 = arith.constant 0 : i32
    %dma_start3A_64 = tpu.memref_slice %arg7[%dma_start3A_60, %dma_start3A_62, %dma_start3A_63] : memref<2x128x64xf32, #tpu.memory_space<vmem>> -> memref<1x128x64xf32, #tpu.memory_space<vmem>>
    %dma_start3A_65 = tpu.memref_squeeze %dma_start3A_64 : memref<1x128x64xf32, #tpu.memory_space<vmem>> -> memref<128x64xf32, #tpu.memory_space<vmem>>
    %dma_start3A_66 = arith.constant 0 : i32
    %dma_start3A_67 = tpu.memref_slice %arg4[%add3A_59, %dma_start3A_66] : memref<819200x64xf32, #tpu.memory_space<hbm>> -> memref<128x64xf32, #tpu.memory_space<hbm>>
    %dma_start3A_68 = tpu.memref_slice %arg9[%dma_start3A_61] : memref<2x!tpu.dma_semaphore, #tpu.memory_space<semaphore_mem>> -> memref<1x!tpu.dma_semaphore, #tpu.memory_space<semaphore_mem>>
    %dma_start3A_69 = tpu.memref_squeeze %dma_start3A_68 : memref<1x!tpu.dma_semaphore, #tpu.memory_space<semaphore_mem>> -> memref<!tpu.dma_semaphore, #tpu.memory_space<semaphore_mem>>
    %dma_start3A_70 = arith.constant 0 : i32
    %dma_start3A_71 = tpu.memref_slice %arg4[%add3A_59, %dma_start3A_70] : memref<819200x64xf32, #tpu.memory_space<hbm>> -> memref<128x64xf32, #tpu.memory_space<hbm>>
    %dma_start3A_72 = arith.constant 0 : i32
    %dma_start3A_73 = arith.constant 0 : i32
    %dma_start3A_74 = tpu.memref_slice %arg7[%dma_start3A_60, %dma_start3A_72, %dma_start3A_73] : memref<2x128x64xf32, #tpu.memory_space<vmem>> -> memref<1x128x64xf32, #tpu.memory_space<vmem>>
    %dma_start3A_75 = tpu.memref_squeeze %dma_start3A_74 : memref<1x128x64xf32, #tpu.memory_space<vmem>> -> memref<128x64xf32, #tpu.memory_space<vmem>>
    tpu.enqueue_dma source(%dma_start3A_75 : memref<128x64xf32, #tpu.memory_space<vmem>>) target(%dma_start3A_71 : memref<128x64xf32, #tpu.memory_space<hbm>>) target_semaphore(%dma_start3A_69 : memref<!tpu.dma_semaphore, #tpu.memory_space<semaphore_mem>>)
    %dma_wait3A_76 = arith.constant 1 : i32
    %dma_wait3A_77 = arith.constant 1 : i32
    %dma_wait3A_78 = arith.constant 0 : i32
    %dma_wait3A_79 = arith.constant 0 : i32
    %dma_wait3A_80 = tpu.memref_slice %arg6[%dma_wait3A_76, %dma_wait3A_78, %dma_wait3A_79] : memref<2x128x128xf32, #tpu.memory_space<vmem>> -> memref<1x128x128xf32, #tpu.memory_space<vmem>>
    %dma_wait3A_81 = tpu.memref_squeeze %dma_wait3A_80 : memref<1x128x128xf32, #tpu.memory_space<vmem>> -> memref<128x128xf32, #tpu.memory_space<vmem>>
    %dma_wait3A_82 = arith.constant 128 : i32
    %dma_wait3A_83 = tpu.memref_slice %arg5[%dma_wait3A_82] : memref<25600xi32, #tpu.memory_space<vmem>> -> memref<128xi32, #tpu.memory_space<vmem>>
    %dma_wait3A_84 = arith.constant 0 : i32
    %dma_wait3A_85 = arith.constant 0 : i32
    %dma_wait3A_86 = tpu.memref_slice %arg3[%dma_wait3A_84, %dma_wait3A_85] : memref<1000000x128xf32, #tpu.memory_space<hbm>> -> memref<1000000x128xf32, #tpu.memory_space<hbm>>
    %dma_wait3A_87 = tpu.memref_slice %arg8[%dma_wait3A_77] : memref<2x!tpu.dma_semaphore, #tpu.memory_space<semaphore_mem>> -> memref<1x!tpu.dma_semaphore, #tpu.memory_space<semaphore_mem>>
    %dma_wait3A_88 = tpu.memref_squeeze %dma_wait3A_87 : memref<1x!tpu.dma_semaphore, #tpu.memory_space<semaphore_mem>> -> memref<!tpu.dma_semaphore, #tpu.memory_space<semaphore_mem>>
    tpu.wait_indirect_dma semaphore(%dma_wait3A_88 : memref<!tpu.dma_semaphore, #tpu.memory_space<semaphore_mem>>) src(%dma_wait3A_86 : memref<1000000x128xf32, #tpu.memory_space<hbm>>) dst(%dma_wait3A_81 : memref<128x128xf32, #tpu.memory_space<vmem>>)
    %scan3A_89 = arith.constant 0 : i32
    %scan3A_90 = arith.constant 0 : i32
    %scan3A_91 = arith.constant 128 : i32
    %scan3A_92 = arith.addi %scan3A_90, %scan3A_91 : i32
    %scan3A_93 = arith.constant 1 : i32
    scf.for %scan3A_277 = %scan3A_90 to %scan3A_92 step %scan3A_93  : i32 {
      %get3A = arith.constant 1 : i32
      %get3A_278 = arith.index_cast %get3A : i32 to index
      %get3A_279 = arith.index_cast %scan3A_277 : i32 to index
      %get3A_280 = arith.constant 0 : index
      %get3A_281 = tpu.vector_load %arg6[%get3A_278, %get3A_279, %get3A_280] {strides = array<i32>} : memref<2x128x128xf32, #tpu.memory_space<vmem>>, vector<1x1x16xf32>,
      %get3A_282 = vector.shape_cast %get3A_281 : vector<1x1x16xf32> to vector<16xf32>
      %mul3A_283 = arith.constant 8.000000e+00 : f32
      %mul3A_284 = vector.broadcast %mul3A_283 : f32 to vector<16xf32>
      %mul3A_285 = arith.mulf %get3A_282, %mul3A_284 : vector<16xf32>
      %swap3A = arith.constant 1 : i32
      %swap3A_286 = arith.index_cast %swap3A : i32 to index
      %swap3A_287 = arith.index_cast %scan3A_277 : i32 to index
      %swap3A_288 = arith.constant 0 : index
      %swap3A_289 = tpu.vector_load %arg7[%swap3A_286, %swap3A_287, %swap3A_288] {strides = array<i32>} : memref<2x128x64xf32, #tpu.memory_space<vmem>>, vector<1x1x16xf32>,
      %swap3A_290 = vector.shape_cast %swap3A_289 : vector<1x1x16xf32> to vector<16xf32>
      %swap3A_291 = vector.shape_cast %mul3A_285 : vector<16xf32> to vector<1x1x16xf32>
      tpu.vector_store %arg7[%swap3A_286, %swap3A_287, %swap3A_288], %swap3A_291 {strides = array<i32>} : memref<2x128x64xf32, #tpu.memory_space<vmem>>, vector<1x1x16xf32>,
      %get3A_292 = arith.constant 1 : i32
      %get3A_293 = arith.index_cast %get3A_292 : i32 to index
      %get3A_294 = arith.index_cast %scan3A_277 : i32 to index
      %get3A_295 = arith.constant 16 : index
      %get3A_296 = tpu.vector_load %arg6[%get3A_293, %get3A_294, %get3A_295] {strides = array<i32>} : memref<2x128x128xf32, #tpu.memory_space<vmem>>, vector<1x1x16xf32>,
      %get3A_297 = vector.shape_cast %get3A_296 : vector<1x1x16xf32> to vector<16xf32>
      %mul3A_298 = arith.constant 8.000000e+00 : f32
      %mul3A_299 = vector.broadcast %mul3A_298 : f32 to vector<16xf32>
      %mul3A_300 = arith.mulf %get3A_297, %mul3A_299 : vector<16xf32>
      %swap3A_301 = arith.constant 1 : i32
      %swap3A_302 = arith.index_cast %swap3A_301 : i32 to index
      %swap3A_303 = arith.index_cast %scan3A_277 : i32 to index
      %swap3A_304 = arith.constant 16 : index
      %swap3A_305 = tpu.vector_load %arg7[%swap3A_302, %swap3A_303, %swap3A_304] {strides = array<i32>} : memref<2x128x64xf32, #tpu.memory_space<vmem>>, vector<1x1x16xf32>,
      %swap3A_306 = vector.shape_cast %swap3A_305 : vector<1x1x16xf32> to vector<16xf32>
      %swap3A_307 = vector.shape_cast %mul3A_300 : vector<16xf32> to vector<1x1x16xf32>
      tpu.vector_store %arg7[%swap3A_302, %swap3A_303, %swap3A_304], %swap3A_307 {strides = array<i32>} : memref<2x128x64xf32, #tpu.memory_space<vmem>>, vector<1x1x16xf32>,
      %get3A_308 = arith.constant 1 : i32
      %get3A_309 = arith.index_cast %get3A_308 : i32 to index
      %get3A_310 = arith.index_cast %scan3A_277 : i32 to index
      %get3A_311 = arith.constant 32 : index
      %get3A_312 = tpu.vector_load %arg6[%get3A_309, %get3A_310, %get3A_311] {strides = array<i32>} : memref<2x128x128xf32, #tpu.memory_space<vmem>>, vector<1x1x16xf32>,
      %get3A_313 = vector.shape_cast %get3A_312 : vector<1x1x16xf32> to vector<16xf32>
      %mul3A_314 = arith.constant 8.000000e+00 : f32
      %mul3A_315 = vector.broadcast %mul3A_314 : f32 to vector<16xf32>
      %mul3A_316 = arith.mulf %get3A_313, %mul3A_315 : vector<16xf32>
      %swap3A_317 = arith.constant 1 : i32
      %swap3A_318 = arith.index_cast %swap3A_317 : i32 to index
      %swap3A_319 = arith.index_cast %scan3A_277 : i32 to index
      %swap3A_320 = arith.constant 32 : index
      %swap3A_321 = tpu.vector_load %arg7[%swap3A_318, %swap3A_319, %swap3A_320] {strides = array<i32>} : memref<2x128x64xf32, #tpu.memory_space<vmem>>, vector<1x1x16xf32>,
      %swap3A_322 = vector.shape_cast %swap3A_321 : vector<1x1x16xf32> to vector<16xf32>
      %swap3A_323 = vector.shape_cast %mul3A_316 : vector<16xf32> to vector<1x1x16xf32>
      tpu.vector_store %arg7[%swap3A_318, %swap3A_319, %swap3A_320], %swap3A_323 {strides = array<i32>} : memref<2x128x64xf32, #tpu.memory_space<vmem>>, vector<1x1x16xf32>,
      %get3A_324 = arith.constant 1 : i32
      %get3A_325 = arith.index_cast %get3A_324 : i32 to index
      %get3A_326 = arith.index_cast %scan3A_277 : i32 to index
      %get3A_327 = arith.constant 48 : index
      %get3A_328 = tpu.vector_load %arg6[%get3A_325, %get3A_326, %get3A_327] {strides = array<i32>} : memref<2x128x128xf32, #tpu.memory_space<vmem>>, vector<1x1x16xf32>,
      %get3A_329 = vector.shape_cast %get3A_328 : vector<1x1x16xf32> to vector<16xf32>
      %mul3A_330 = arith.constant 8.000000e+00 : f32
      %mul3A_331 = vector.broadcast %mul3A_330 : f32 to vector<16xf32>
      %mul3A_332 = arith.mulf %get3A_329, %mul3A_331 : vector<16xf32>
      %swap3A_333 = arith.constant 1 : i32
      %swap3A_334 = arith.index_cast %swap3A_333 : i32 to index
      %swap3A_335 = arith.index_cast %scan3A_277 : i32 to index
      %swap3A_336 = arith.constant 48 : index
      %swap3A_337 = tpu.vector_load %arg7[%swap3A_334, %swap3A_335, %swap3A_336] {strides = array<i32>} : memref<2x128x64xf32, #tpu.memory_space<vmem>>, vector<1x1x16xf32>,
      %swap3A_338 = vector.shape_cast %swap3A_337 : vector<1x1x16xf32> to vector<16xf32>
      %swap3A_339 = vector.shape_cast %mul3A_332 : vector<16xf32> to vector<1x1x16xf32>
      tpu.vector_store %arg7[%swap3A_334, %swap3A_335, %swap3A_336], %swap3A_339 {strides = array<i32>} : memref<2x128x64xf32, #tpu.memory_space<vmem>>, vector<1x1x16xf32>,
    }
    %scan3A_94 = arith.constant 128 : i32
    %dma_start3A_95 = arith.constant 1 : i32
    %dma_start3A_96 = arith.constant 1 : i32
    %dma_start3A_97 = arith.constant 0 : i32
    %dma_start3A_98 = arith.constant 0 : i32
    %dma_start3A_99 = tpu.memref_slice %arg6[%dma_start3A_95, %dma_start3A_97, %dma_start3A_98] : memref<2x128x128xf32, #tpu.memory_space<vmem>> -> memref<1x128x128xf32, #tpu.memory_space<vmem>>
    %dma_start3A_100 = tpu.memref_squeeze %dma_start3A_99 : memref<1x128x128xf32, #tpu.memory_space<vmem>> -> memref<128x128xf32, #tpu.memory_space<vmem>>
    %dma_start3A_101 = arith.constant 384 : i32
    %dma_start3A_102 = tpu.memref_slice %arg5[%dma_start3A_101] : memref<25600xi32, #tpu.memory_space<vmem>> -> memref<128xi32, #tpu.memory_space<vmem>>
    %dma_start3A_103 = arith.constant 0 : i32
    %dma_start3A_104 = arith.constant 0 : i32
    %dma_start3A_105 = tpu.memref_slice %arg3[%dma_start3A_103, %dma_start3A_104] : memref<1000000x128xf32, #tpu.memory_space<hbm>> -> memref<1000000x128xf32, #tpu.memory_space<hbm>>
    %dma_start3A_106 = tpu.memref_slice %arg8[%dma_start3A_96] : memref<2x!tpu.dma_semaphore, #tpu.memory_space<semaphore_mem>> -> memref<1x!tpu.dma_semaphore, #tpu.memory_space<semaphore_mem>>
    %dma_start3A_107 = tpu.memref_squeeze %dma_start3A_106 : memref<1x!tpu.dma_semaphore, #tpu.memory_space<semaphore_mem>> -> memref<!tpu.dma_semaphore, #tpu.memory_space<semaphore_mem>>
    tpu.enqueue_indirect_dma source(%dma_start3A_105 : memref<1000000x128xf32, #tpu.memory_space<hbm>>) target(%dma_start3A_100 : memref<128x128xf32, #tpu.memory_space<vmem>>) offsets(%dma_start3A_102 : memref<128xi32, #tpu.memory_space<vmem>>) semaphore(%dma_start3A_107 : memref<!tpu.dma_semaphore, #tpu.memory_space<semaphore_mem>>)
    %add3A_108 = arith.constant 128 : i32
    %add3A_109 = arith.addi %mul3A_2, %add3A_108 : i32
    %dma_start3A_110 = arith.constant 1 : i32
    %dma_start3A_111 = arith.constant 1 : i32
    %dma_start3A_112 = arith.constant 0 : i32
    %dma_start3A_113 = arith.constant 0 : i32
    %dma_start3A_114 = tpu.memref_slice %arg7[%dma_start3A_110, %dma_start3A_112, %dma_start3A_113] : memref<2x128x64xf32, #tpu.memory_space<vmem>> -> memref<1x128x64xf32, #tpu.memory_space<vmem>>
    %dma_start3A_115 = tpu.memref_squeeze %dma_start3A_114 : memref<1x128x64xf32, #tpu.memory_space<vmem>> -> memref<128x64xf32, #tpu.memory_space<vmem>>
    %dma_start3A_116 = arith.constant 0 : i32
    %dma_start3A_117 = tpu.memref_slice %arg4[%add3A_109, %dma_start3A_116] : memref<819200x64xf32, #tpu.memory_space<hbm>> -> memref<128x64xf32, #tpu.memory_space<hbm>>
    %dma_start3A_118 = tpu.memref_slice %arg9[%dma_start3A_111] : memref<2x!tpu.dma_semaphore, #tpu.memory_space<semaphore_mem>> -> memref<1x!tpu.dma_semaphore, #tpu.memory_space<semaphore_mem>>
    %dma_start3A_119 = tpu.memref_squeeze %dma_start3A_118 : memref<1x!tpu.dma_semaphore, #tpu.memory_space<semaphore_mem>> -> memref<!tpu.dma_semaphore, #tpu.memory_space<semaphore_mem>>
    %dma_start3A_120 = arith.constant 0 : i32
    %dma_start3A_121 = tpu.memref_slice %arg4[%add3A_109, %dma_start3A_120] : memref<819200x64xf32, #tpu.memory_space<hbm>> -> memref<128x64xf32, #tpu.memory_space<hbm>>
    %dma_start3A_122 = arith.constant 0 : i32
    %dma_start3A_123 = arith.constant 0 : i32
    %dma_start3A_124 = tpu.memref_slice %arg7[%dma_start3A_110, %dma_start3A_122, %dma_start3A_123] : memref<2x128x64xf32, #tpu.memory_space<vmem>> -> memref<1x128x64xf32, #tpu.memory_space<vmem>>
    %dma_start3A_125 = tpu.memref_squeeze %dma_start3A_124 : memref<1x128x64xf32, #tpu.memory_space<vmem>> -> memref<128x64xf32, #tpu.memory_space<vmem>>
    tpu.enqueue_dma source(%dma_start3A_125 : memref<128x64xf32, #tpu.memory_space<vmem>>) target(%dma_start3A_121 : memref<128x64xf32, #tpu.memory_space<hbm>>) target_semaphore(%dma_start3A_119 : memref<!tpu.dma_semaphore, #tpu.memory_space<semaphore_mem>>)
    %scan3A_126 = arith.constant 0 : i32
    %scan3A_127 = arith.constant 98 : i32
    %scan3A_128 = arith.addi %scan3A_126, %scan3A_127 : i32
    %scan3A_129 = arith.constant 1 : i32
    scf.for %scan3A_277 = %scan3A_126 to %scan3A_128 step %scan3A_129  : i32 {
      %mul3A_278 = arith.constant 1 : i32
      %mul3A_279 = arith.muli %scan3A_277, %mul3A_278 : i32
      %add3A_280 = arith.constant 1 : i32
      %add3A_281 = arith.addi %add3A_280, %mul3A_279 : i32
      %mul3A_282 = arith.constant 2 : i32
      %mul3A_283 = arith.muli %add3A_281, %mul3A_282 : i32
      %add3A_284 = arith.constant 0 : i32
      %add3A_285 = arith.addi %mul3A_283, %add3A_284 : i32
      %mul3A_286 = arith.constant 128 : i32
      %mul3A_287 = arith.muli %add3A_285, %mul3A_286 : i32
      %dma_wait3A_288 = arith.constant 0 : i32
      %dma_wait3A_289 = arith.constant 0 : i32
      %dma_wait3A_290 = arith.constant 0 : i32
      %dma_wait3A_291 = arith.constant 0 : i32
      %dma_wait3A_292 = tpu.memref_slice %arg6[%dma_wait3A_288, %dma_wait3A_290, %dma_wait3A_291] : memref<2x128x128xf32, #tpu.memory_space<vmem>> -> memref<1x128x128xf32, #tpu.memory_space<vmem>>
      %dma_wait3A_293 = tpu.memref_squeeze %dma_wait3A_292 : memref<1x128x128xf32, #tpu.memory_space<vmem>> -> memref<128x128xf32, #tpu.memory_space<vmem>>
      %dma_wait3A_294 = tpu.memref_slice %arg5[%mul3A_287] : memref<25600xi32, #tpu.memory_space<vmem>> -> memref<128xi32, #tpu.memory_space<vmem>>
      %dma_wait3A_295 = arith.constant 0 : i32
      %dma_wait3A_296 = arith.constant 0 : i32
      %dma_wait3A_297 = tpu.memref_slice %arg3[%dma_wait3A_295, %dma_wait3A_296] : memref<1000000x128xf32, #tpu.memory_space<hbm>> -> memref<1000000x128xf32, #tpu.memory_space<hbm>>
      %dma_wait3A_298 = tpu.memref_slice %arg8[%dma_wait3A_289] : memref<2x!tpu.dma_semaphore, #tpu.memory_space<semaphore_mem>> -> memref<1x!tpu.dma_semaphore, #tpu.memory_space<semaphore_mem>>
      %dma_wait3A_299 = tpu.memref_squeeze %dma_wait3A_298 : memref<1x!tpu.dma_semaphore, #tpu.memory_space<semaphore_mem>> -> memref<!tpu.dma_semaphore, #tpu.memory_space<semaphore_mem>>
      tpu.wait_indirect_dma semaphore(%dma_wait3A_299 : memref<!tpu.dma_semaphore, #tpu.memory_space<semaphore_mem>>) src(%dma_wait3A_297 : memref<1000000x128xf32, #tpu.memory_space<hbm>>) dst(%dma_wait3A_293 : memref<128x128xf32, #tpu.memory_space<vmem>>)
      %sub3A = arith.constant 2 : i32
      %sub3A_300 = arith.subi %add3A_285, %sub3A : i32
      %mul3A_301 = arith.constant 128 : i32
      %mul3A_302 = arith.muli %sub3A_300, %mul3A_301 : i32
      %add3A_303 = arith.addi %mul3A_2, %mul3A_302 : i32
      %dma_wait3A_304 = arith.constant 0 : i32
      %dma_wait3A_305 = arith.constant 0 : i32
      %dma_wait3A_306 = arith.constant 0 : i32
      %dma_wait3A_307 = arith.constant 0 : i32
      %dma_wait3A_308 = tpu.memref_slice %arg7[%dma_wait3A_304, %dma_wait3A_306, %dma_wait3A_307] : memref<2x128x64xf32, #tpu.memory_space<vmem>> -> memref<1x128x64xf32, #tpu.memory_space<vmem>>
      %dma_wait3A_309 = tpu.memref_squeeze %dma_wait3A_308 : memref<1x128x64xf32, #tpu.memory_space<vmem>> -> memref<128x64xf32, #tpu.memory_space<vmem>>
      %dma_wait3A_310 = arith.constant 0 : i32
      %dma_wait3A_311 = tpu.memref_slice %arg4[%add3A_303, %dma_wait3A_310] : memref<819200x64xf32, #tpu.memory_space<hbm>> -> memref<128x64xf32, #tpu.memory_space<hbm>>
      %dma_wait3A_312 = tpu.memref_slice %arg9[%dma_wait3A_305] : memref<2x!tpu.dma_semaphore, #tpu.memory_space<semaphore_mem>> -> memref<1x!tpu.dma_semaphore, #tpu.memory_space<semaphore_mem>>
      %dma_wait3A_313 = tpu.memref_squeeze %dma_wait3A_312 : memref<1x!tpu.dma_semaphore, #tpu.memory_space<semaphore_mem>> -> memref<!tpu.dma_semaphore, #tpu.memory_space<semaphore_mem>>
      %dma_wait3A_314 = arith.constant 0 : i32
      %dma_wait3A_315 = tpu.memref_slice %arg4[%add3A_303, %dma_wait3A_314] : memref<819200x64xf32, #tpu.memory_space<hbm>> -> memref<128x64xf32, #tpu.memory_space<hbm>>
      %dma_wait3A_316 = arith.constant 0 : i32
      %dma_wait3A_317 = arith.constant 0 : i32
      %dma_wait3A_318 = tpu.memref_slice %arg7[%dma_wait3A_304, %dma_wait3A_316, %dma_wait3A_317] : memref<2x128x64xf32, #tpu.memory_space<vmem>> -> memref<1x128x64xf32, #tpu.memory_space<vmem>>
      %dma_wait3A_319 = tpu.memref_squeeze %dma_wait3A_318 : memref<1x128x64xf32, #tpu.memory_space<vmem>> -> memref<128x64xf32, #tpu.memory_space<vmem>>
      tpu.wait_dma2 semaphore(%dma_wait3A_313 : memref<!tpu.dma_semaphore, #tpu.memory_space<semaphore_mem>>) src(%dma_wait3A_319 : memref<128x64xf32, #tpu.memory_space<vmem>>) dst(%dma_wait3A_315 : memref<128x64xf32, #tpu.memory_space<hbm>>)
      %scan3A_320 = arith.constant 0 : i32
      %scan3A_321 = arith.constant 0 : i32
      %scan3A_322 = arith.constant 128 : i32
      %scan3A_323 = arith.addi %scan3A_321, %scan3A_322 : i32
      %scan3A_324 = arith.constant 1 : i32
      scf.for %scan3A_441 = %scan3A_321 to %scan3A_323 step %scan3A_324  : i32 {
        %get3A = arith.constant 0 : i32
        %get3A_442 = arith.index_cast %get3A : i32 to index
        %get3A_443 = arith.index_cast %scan3A_441 : i32 to index
        %get3A_444 = arith.constant 0 : index
        %get3A_445 = tpu.vector_load %arg6[%get3A_442, %get3A_443, %get3A_444] {strides = array<i32>} : memref<2x128x128xf32, #tpu.memory_space<vmem>>, vector<1x1x16xf32>,
        %get3A_446 = vector.shape_cast %get3A_445 : vector<1x1x16xf32> to vector<16xf32>
        %mul3A_447 = arith.constant 8.000000e+00 : f32
        %mul3A_448 = vector.broadcast %mul3A_447 : f32 to vector<16xf32>
        %mul3A_449 = arith.mulf %get3A_446, %mul3A_448 : vector<16xf32>
        %swap3A = arith.constant 0 : i32
        %swap3A_450 = arith.index_cast %swap3A : i32 to index
        %swap3A_451 = arith.index_cast %scan3A_441 : i32 to index
        %swap3A_452 = arith.constant 0 : index
        %swap3A_453 = tpu.vector_load %arg7[%swap3A_450, %swap3A_451, %swap3A_452] {strides = array<i32>} : memref<2x128x64xf32, #tpu.memory_space<vmem>>, vector<1x1x16xf32>,
        %swap3A_454 = vector.shape_cast %swap3A_453 : vector<1x1x16xf32> to vector<16xf32>
        %swap3A_455 = vector.shape_cast %mul3A_449 : vector<16xf32> to vector<1x1x16xf32>
        tpu.vector_store %arg7[%swap3A_450, %swap3A_451, %swap3A_452], %swap3A_455 {strides = array<i32>} : memref<2x128x64xf32, #tpu.memory_space<vmem>>, vector<1x1x16xf32>,
        %get3A_456 = arith.constant 0 : i32
        %get3A_457 = arith.index_cast %get3A_456 : i32 to index
        %get3A_458 = arith.index_cast %scan3A_441 : i32 to index
        %get3A_459 = arith.constant 16 : index
        %get3A_460 = tpu.vector_load %arg6[%get3A_457, %get3A_458, %get3A_459] {strides = array<i32>} : memref<2x128x128xf32, #tpu.memory_space<vmem>>, vector<1x1x16xf32>,
        %get3A_461 = vector.shape_cast %get3A_460 : vector<1x1x16xf32> to vector<16xf32>
        %mul3A_462 = arith.constant 8.000000e+00 : f32
        %mul3A_463 = vector.broadcast %mul3A_462 : f32 to vector<16xf32>
        %mul3A_464 = arith.mulf %get3A_461, %mul3A_463 : vector<16xf32>
        %swap3A_465 = arith.constant 0 : i32
        %swap3A_466 = arith.index_cast %swap3A_465 : i32 to index
        %swap3A_467 = arith.index_cast %scan3A_441 : i32 to index
        %swap3A_468 = arith.constant 16 : index
        %swap3A_469 = tpu.vector_load %arg7[%swap3A_466, %swap3A_467, %swap3A_468] {strides = array<i32>} : memref<2x128x64xf32, #tpu.memory_space<vmem>>, vector<1x1x16xf32>,
        %swap3A_470 = vector.shape_cast %swap3A_469 : vector<1x1x16xf32> to vector<16xf32>
        %swap3A_471 = vector.shape_cast %mul3A_464 : vector<16xf32> to vector<1x1x16xf32>
        tpu.vector_store %arg7[%swap3A_466, %swap3A_467, %swap3A_468], %swap3A_471 {strides = array<i32>} : memref<2x128x64xf32, #tpu.memory_space<vmem>>, vector<1x1x16xf32>,
        %get3A_472 = arith.constant 0 : i32
        %get3A_473 = arith.index_cast %get3A_472 : i32 to index
        %get3A_474 = arith.index_cast %scan3A_441 : i32 to index
        %get3A_475 = arith.constant 32 : index
        %get3A_476 = tpu.vector_load %arg6[%get3A_473, %get3A_474, %get3A_475] {strides = array<i32>} : memref<2x128x128xf32, #tpu.memory_space<vmem>>, vector<1x1x16xf32>,
        %get3A_477 = vector.shape_cast %get3A_476 : vector<1x1x16xf32> to vector<16xf32>
        %mul3A_478 = arith.constant 8.000000e+00 : f32
        %mul3A_479 = vector.broadcast %mul3A_478 : f32 to vector<16xf32>
        %mul3A_480 = arith.mulf %get3A_477, %mul3A_479 : vector<16xf32>
        %swap3A_481 = arith.constant 0 : i32
        %swap3A_482 = arith.index_cast %swap3A_481 : i32 to index
        %swap3A_483 = arith.index_cast %scan3A_441 : i32 to index
        %swap3A_484 = arith.constant 32 : index
        %swap3A_485 = tpu.vector_load %arg7[%swap3A_482, %swap3A_483, %swap3A_484] {strides = array<i32>} : memref<2x128x64xf32, #tpu.memory_space<vmem>>, vector<1x1x16xf32>,
        %swap3A_486 = vector.shape_cast %swap3A_485 : vector<1x1x16xf32> to vector<16xf32>
        %swap3A_487 = vector.shape_cast %mul3A_480 : vector<16xf32> to vector<1x1x16xf32>
        tpu.vector_store %arg7[%swap3A_482, %swap3A_483, %swap3A_484], %swap3A_487 {strides = array<i32>} : memref<2x128x64xf32, #tpu.memory_space<vmem>>, vector<1x1x16xf32>,
        %get3A_488 = arith.constant 0 : i32
        %get3A_489 = arith.index_cast %get3A_488 : i32 to index
        %get3A_490 = arith.index_cast %scan3A_441 : i32 to index
        %get3A_491 = arith.constant 48 : index
        %get3A_492 = tpu.vector_load %arg6[%get3A_489, %get3A_490, %get3A_491] {strides = array<i32>} : memref<2x128x128xf32, #tpu.memory_space<vmem>>, vector<1x1x16xf32>,
        %get3A_493 = vector.shape_cast %get3A_492 : vector<1x1x16xf32> to vector<16xf32>
        %mul3A_494 = arith.constant 8.000000e+00 : f32
        %mul3A_495 = vector.broadcast %mul3A_494 : f32 to vector<16xf32>
        %mul3A_496 = arith.mulf %get3A_493, %mul3A_495 : vector<16xf32>
        %swap3A_497 = arith.constant 0 : i32
        %swap3A_498 = arith.index_cast %swap3A_497 : i32 to index
        %swap3A_499 = arith.index_cast %scan3A_441 : i32 to index
        %swap3A_500 = arith.constant 48 : index
        %swap3A_501 = tpu.vector_load %arg7[%swap3A_498, %swap3A_499, %swap3A_500] {strides = array<i32>} : memref<2x128x64xf32, #tpu.memory_space<vmem>>, vector<1x1x16xf32>,
        %swap3A_502 = vector.shape_cast %swap3A_501 : vector<1x1x16xf32> to vector<16xf32>
        %swap3A_503 = vector.shape_cast %mul3A_496 : vector<16xf32> to vector<1x1x16xf32>
        tpu.vector_store %arg7[%swap3A_498, %swap3A_499, %swap3A_500], %swap3A_503 {strides = array<i32>} : memref<2x128x64xf32, #tpu.memory_space<vmem>>, vector<1x1x16xf32>,
      }
      %scan3A_325 = arith.constant 128 : i32
      %add3A_326 = arith.constant 2 : i32
      %add3A_327 = arith.addi %add3A_285, %add3A_326 : i32
      %mul3A_328 = arith.constant 128 : i32
      %mul3A_329 = arith.muli %add3A_327, %mul3A_328 : i32
      %dma_start3A_330 = arith.constant 0 : i32
      %dma_start3A_331 = arith.constant 0 : i32
      %dma_start3A_332 = arith.constant 0 : i32
      %dma_start3A_333 = arith.constant 0 : i32
      %dma_start3A_334 = tpu.memref_slice %arg6[%dma_start3A_330, %dma_start3A_332, %dma_start3A_333] : memref<2x128x128xf32, #tpu.memory_space<vmem>> -> memref<1x128x128xf32, #tpu.memory_space<vmem>>
      %dma_start3A_335 = tpu.memref_squeeze %dma_start3A_334 : memref<1x128x128xf32, #tpu.memory_space<vmem>> -> memref<128x128xf32, #tpu.memory_space<vmem>>
      %dma_start3A_336 = tpu.memref_slice %arg5[%mul3A_329] : memref<25600xi32, #tpu.memory_space<vmem>> -> memref<128xi32, #tpu.memory_space<vmem>>
      %dma_start3A_337 = arith.constant 0 : i32
      %dma_start3A_338 = arith.constant 0 : i32
      %dma_start3A_339 = tpu.memref_slice %arg3[%dma_start3A_337, %dma_start3A_338] : memref<1000000x128xf32, #tpu.memory_space<hbm>> -> memref<1000000x128xf32, #tpu.memory_space<hbm>>
      %dma_start3A_340 = tpu.memref_slice %arg8[%dma_start3A_331] : memref<2x!tpu.dma_semaphore, #tpu.memory_space<semaphore_mem>> -> memref<1x!tpu.dma_semaphore, #tpu.memory_space<semaphore_mem>>
      %dma_start3A_341 = tpu.memref_squeeze %dma_start3A_340 : memref<1x!tpu.dma_semaphore, #tpu.memory_space<semaphore_mem>> -> memref<!tpu.dma_semaphore, #tpu.memory_space<semaphore_mem>>
      tpu.enqueue_indirect_dma source(%dma_start3A_339 : memref<1000000x128xf32, #tpu.memory_space<hbm>>) target(%dma_start3A_335 : memref<128x128xf32, #tpu.memory_space<vmem>>) offsets(%dma_start3A_336 : memref<128xi32, #tpu.memory_space<vmem>>) semaphore(%dma_start3A_341 : memref<!tpu.dma_semaphore, #tpu.memory_space<semaphore_mem>>)
      %mul3A_342 = arith.constant 128 : i32
      %mul3A_343 = arith.muli %add3A_285, %mul3A_342 : i32
      %add3A_344 = arith.addi %mul3A_2, %mul3A_343 : i32
      %dma_start3A_345 = arith.constant 0 : i32
      %dma_start3A_346 = arith.constant 0 : i32
      %dma_start3A_347 = arith.constant 0 : i32
      %dma_start3A_348 = arith.constant 0 : i32
      %dma_start3A_349 = tpu.memref_slice %arg7[%dma_start3A_345, %dma_start3A_347, %dma_start3A_348] : memref<2x128x64xf32, #tpu.memory_space<vmem>> -> memref<1x128x64xf32, #tpu.memory_space<vmem>>
      %dma_start3A_350 = tpu.memref_squeeze %dma_start3A_349 : memref<1x128x64xf32, #tpu.memory_space<vmem>> -> memref<128x64xf32, #tpu.memory_space<vmem>>
      %dma_start3A_351 = arith.constant 0 : i32
      %dma_start3A_352 = tpu.memref_slice %arg4[%add3A_344, %dma_start3A_351] : memref<819200x64xf32, #tpu.memory_space<hbm>> -> memref<128x64xf32, #tpu.memory_space<hbm>>
      %dma_start3A_353 = tpu.memref_slice %arg9[%dma_start3A_346] : memref<2x!tpu.dma_semaphore, #tpu.memory_space<semaphore_mem>> -> memref<1x!tpu.dma_semaphore, #tpu.memory_space<semaphore_mem>>
      %dma_start3A_354 = tpu.memref_squeeze %dma_start3A_353 : memref<1x!tpu.dma_semaphore, #tpu.memory_space<semaphore_mem>> -> memref<!tpu.dma_semaphore, #tpu.memory_space<semaphore_mem>>
      %dma_start3A_355 = arith.constant 0 : i32
      %dma_start3A_356 = tpu.memref_slice %arg4[%add3A_344, %dma_start3A_355] : memref<819200x64xf32, #tpu.memory_space<hbm>> -> memref<128x64xf32, #tpu.memory_space<hbm>>
      %dma_start3A_357 = arith.constant 0 : i32
      %dma_start3A_358 = arith.constant 0 : i32
      %dma_start3A_359 = tpu.memref_slice %arg7[%dma_start3A_345, %dma_start3A_357, %dma_start3A_358] : memref<2x128x64xf32, #tpu.memory_space<vmem>> -> memref<1x128x64xf32, #tpu.memory_space<vmem>>
      %dma_start3A_360 = tpu.memref_squeeze %dma_start3A_359 : memref<1x128x64xf32, #tpu.memory_space<vmem>> -> memref<128x64xf32, #tpu.memory_space<vmem>>
      tpu.enqueue_dma source(%dma_start3A_360 : memref<128x64xf32, #tpu.memory_space<vmem>>) target(%dma_start3A_356 : memref<128x64xf32, #tpu.memory_space<hbm>>) target_semaphore(%dma_start3A_354 : memref<!tpu.dma_semaphore, #tpu.memory_space<semaphore_mem>>)
      %mul3A_361 = arith.constant 2 : i32
      %mul3A_362 = arith.muli %add3A_281, %mul3A_361 : i32
      %add3A_363 = arith.constant 1 : i32
      %add3A_364 = arith.addi %mul3A_362, %add3A_363 : i32
      %mul3A_365 = arith.constant 128 : i32
      %mul3A_366 = arith.muli %add3A_364, %mul3A_365 : i32
      %dma_wait3A_367 = arith.constant 1 : i32
      %dma_wait3A_368 = arith.constant 1 : i32
      %dma_wait3A_369 = arith.constant 0 : i32
      %dma_wait3A_370 = arith.constant 0 : i32
      %dma_wait3A_371 = tpu.memref_slice %arg6[%dma_wait3A_367, %dma_wait3A_369, %dma_wait3A_370] : memref<2x128x128xf32, #tpu.memory_space<vmem>> -> memref<1x128x128xf32, #tpu.memory_space<vmem>>
      %dma_wait3A_372 = tpu.memref_squeeze %dma_wait3A_371 : memref<1x128x128xf32, #tpu.memory_space<vmem>> -> memref<128x128xf32, #tpu.memory_space<vmem>>
      %dma_wait3A_373 = tpu.memref_slice %arg5[%mul3A_366] : memref<25600xi32, #tpu.memory_space<vmem>> -> memref<128xi32, #tpu.memory_space<vmem>>
      %dma_wait3A_374 = arith.constant 0 : i32
      %dma_wait3A_375 = arith.constant 0 : i32
      %dma_wait3A_376 = tpu.memref_slice %arg3[%dma_wait3A_374, %dma_wait3A_375] : memref<1000000x128xf32, #tpu.memory_space<hbm>> -> memref<1000000x128xf32, #tpu.memory_space<hbm>>
      %dma_wait3A_377 = tpu.memref_slice %arg8[%dma_wait3A_368] : memref<2x!tpu.dma_semaphore, #tpu.memory_space<semaphore_mem>> -> memref<1x!tpu.dma_semaphore, #tpu.memory_space<semaphore_mem>>
      %dma_wait3A_378 = tpu.memref_squeeze %dma_wait3A_377 : memref<1x!tpu.dma_semaphore, #tpu.memory_space<semaphore_mem>> -> memref<!tpu.dma_semaphore, #tpu.memory_space<semaphore_mem>>
      tpu.wait_indirect_dma semaphore(%dma_wait3A_378 : memref<!tpu.dma_semaphore, #tpu.memory_space<semaphore_mem>>) src(%dma_wait3A_376 : memref<1000000x128xf32, #tpu.memory_space<hbm>>) dst(%dma_wait3A_372 : memref<128x128xf32, #tpu.memory_space<vmem>>)
      %sub3A_379 = arith.constant 2 : i32
      %sub3A_380 = arith.subi %add3A_364, %sub3A_379 : i32
      %mul3A_381 = arith.constant 128 : i32
      %mul3A_382 = arith.muli %sub3A_380, %mul3A_381 : i32
      %add3A_383 = arith.addi %mul3A_2, %mul3A_382 : i32
      %dma_wait3A_384 = arith.constant 1 : i32
      %dma_wait3A_385 = arith.constant 1 : i32
      %dma_wait3A_386 = arith.constant 0 : i32
      %dma_wait3A_387 = arith.constant 0 : i32
      %dma_wait3A_388 = tpu.memref_slice %arg7[%dma_wait3A_384, %dma_wait3A_386, %dma_wait3A_387] : memref<2x128x64xf32, #tpu.memory_space<vmem>> -> memref<1x128x64xf32, #tpu.memory_space<vmem>>
      %dma_wait3A_389 = tpu.memref_squeeze %dma_wait3A_388 : memref<1x128x64xf32, #tpu.memory_space<vmem>> -> memref<128x64xf32, #tpu.memory_space<vmem>>
      %dma_wait3A_390 = arith.constant 0 : i32
      %dma_wait3A_391 = tpu.memref_slice %arg4[%add3A_383, %dma_wait3A_390] : memref<819200x64xf32, #tpu.memory_space<hbm>> -> memref<128x64xf32, #tpu.memory_space<hbm>>
      %dma_wait3A_392 = tpu.memref_slice %arg9[%dma_wait3A_385] : memref<2x!tpu.dma_semaphore, #tpu.memory_space<semaphore_mem>> -> memref<1x!tpu.dma_semaphore, #tpu.memory_space<semaphore_mem>>
      %dma_wait3A_393 = tpu.memref_squeeze %dma_wait3A_392 : memref<1x!tpu.dma_semaphore, #tpu.memory_space<semaphore_mem>> -> memref<!tpu.dma_semaphore, #tpu.memory_space<semaphore_mem>>
      %dma_wait3A_394 = arith.constant 0 : i32
      %dma_wait3A_395 = tpu.memref_slice %arg4[%add3A_383, %dma_wait3A_394] : memref<819200x64xf32, #tpu.memory_space<hbm>> -> memref<128x64xf32, #tpu.memory_space<hbm>>
      %dma_wait3A_396 = arith.constant 0 : i32
      %dma_wait3A_397 = arith.constant 0 : i32
      %dma_wait3A_398 = tpu.memref_slice %arg7[%dma_wait3A_384, %dma_wait3A_396, %dma_wait3A_397] : memref<2x128x64xf32, #tpu.memory_space<vmem>> -> memref<1x128x64xf32, #tpu.memory_space<vmem>>
      %dma_wait3A_399 = tpu.memref_squeeze %dma_wait3A_398 : memref<1x128x64xf32, #tpu.memory_space<vmem>> -> memref<128x64xf32, #tpu.memory_space<vmem>>
      tpu.wait_dma2 semaphore(%dma_wait3A_393 : memref<!tpu.dma_semaphore, #tpu.memory_space<semaphore_mem>>) src(%dma_wait3A_399 : memref<128x64xf32, #tpu.memory_space<vmem>>) dst(%dma_wait3A_395 : memref<128x64xf32, #tpu.memory_space<hbm>>)
      %scan3A_400 = arith.constant 0 : i32
      %scan3A_401 = arith.constant 0 : i32
      %scan3A_402 = arith.constant 128 : i32
      %scan3A_403 = arith.addi %scan3A_401, %scan3A_402 : i32
      %scan3A_404 = arith.constant 1 : i32
      scf.for %scan3A_441 = %scan3A_401 to %scan3A_403 step %scan3A_404  : i32 {
        %get3A = arith.constant 1 : i32
        %get3A_442 = arith.index_cast %get3A : i32 to index
        %get3A_443 = arith.index_cast %scan3A_441 : i32 to index
        %get3A_444 = arith.constant 0 : index
        %get3A_445 = tpu.vector_load %arg6[%get3A_442, %get3A_443, %get3A_444] {strides = array<i32>} : memref<2x128x128xf32, #tpu.memory_space<vmem>>, vector<1x1x16xf32>,
        %get3A_446 = vector.shape_cast %get3A_445 : vector<1x1x16xf32> to vector<16xf32>
        %mul3A_447 = arith.constant 8.000000e+00 : f32
        %mul3A_448 = vector.broadcast %mul3A_447 : f32 to vector<16xf32>
        %mul3A_449 = arith.mulf %get3A_446, %mul3A_448 : vector<16xf32>
        %swap3A = arith.constant 1 : i32
        %swap3A_450 = arith.index_cast %swap3A : i32 to index
        %swap3A_451 = arith.index_cast %scan3A_441 : i32 to index
        %swap3A_452 = arith.constant 0 : index
        %swap3A_453 = tpu.vector_load %arg7[%swap3A_450, %swap3A_451, %swap3A_452] {strides = array<i32>} : memref<2x128x64xf32, #tpu.memory_space<vmem>>, vector<1x1x16xf32>,
        %swap3A_454 = vector.shape_cast %swap3A_453 : vector<1x1x16xf32> to vector<16xf32>
        %swap3A_455 = vector.shape_cast %mul3A_449 : vector<16xf32> to vector<1x1x16xf32>
        tpu.vector_store %arg7[%swap3A_450, %swap3A_451, %swap3A_452], %swap3A_455 {strides = array<i32>} : memref<2x128x64xf32, #tpu.memory_space<vmem>>, vector<1x1x16xf32>,
        %get3A_456 = arith.constant 1 : i32
        %get3A_457 = arith.index_cast %get3A_456 : i32 to index
        %get3A_458 = arith.index_cast %scan3A_441 : i32 to index
        %get3A_459 = arith.constant 16 : index
        %get3A_460 = tpu.vector_load %arg6[%get3A_457, %get3A_458, %get3A_459] {strides = array<i32>} : memref<2x128x128xf32, #tpu.memory_space<vmem>>, vector<1x1x16xf32>,
        %get3A_461 = vector.shape_cast %get3A_460 : vector<1x1x16xf32> to vector<16xf32>
        %mul3A_462 = arith.constant 8.000000e+00 : f32
        %mul3A_463 = vector.broadcast %mul3A_462 : f32 to vector<16xf32>
        %mul3A_464 = arith.mulf %get3A_461, %mul3A_463 : vector<16xf32>
        %swap3A_465 = arith.constant 1 : i32
        %swap3A_466 = arith.index_cast %swap3A_465 : i32 to index
        %swap3A_467 = arith.index_cast %scan3A_441 : i32 to index
        %swap3A_468 = arith.constant 16 : index
        %swap3A_469 = tpu.vector_load %arg7[%swap3A_466, %swap3A_467, %swap3A_468] {strides = array<i32>} : memref<2x128x64xf32, #tpu.memory_space<vmem>>, vector<1x1x16xf32>,
        %swap3A_470 = vector.shape_cast %swap3A_469 : vector<1x1x16xf32> to vector<16xf32>
        %swap3A_471 = vector.shape_cast %mul3A_464 : vector<16xf32> to vector<1x1x16xf32>
        tpu.vector_store %arg7[%swap3A_466, %swap3A_467, %swap3A_468], %swap3A_471 {strides = array<i32>} : memref<2x128x64xf32, #tpu.memory_space<vmem>>, vector<1x1x16xf32>,
        %get3A_472 = arith.constant 1 : i32
        %get3A_473 = arith.index_cast %get3A_472 : i32 to index
        %get3A_474 = arith.index_cast %scan3A_441 : i32 to index
        %get3A_475 = arith.constant 32 : index
        %get3A_476 = tpu.vector_load %arg6[%get3A_473, %get3A_474, %get3A_475] {strides = array<i32>} : memref<2x128x128xf32, #tpu.memory_space<vmem>>, vector<1x1x16xf32>,
        %get3A_477 = vector.shape_cast %get3A_476 : vector<1x1x16xf32> to vector<16xf32>
        %mul3A_478 = arith.constant 8.000000e+00 : f32
        %mul3A_479 = vector.broadcast %mul3A_478 : f32 to vector<16xf32>
        %mul3A_480 = arith.mulf %get3A_477, %mul3A_479 : vector<16xf32>
        %swap3A_481 = arith.constant 1 : i32
        %swap3A_482 = arith.index_cast %swap3A_481 : i32 to index
        %swap3A_483 = arith.index_cast %scan3A_441 : i32 to index
        %swap3A_484 = arith.constant 32 : index
        %swap3A_485 = tpu.vector_load %arg7[%swap3A_482, %swap3A_483, %swap3A_484] {strides = array<i32>} : memref<2x128x64xf32, #tpu.memory_space<vmem>>, vector<1x1x16xf32>,
        %swap3A_486 = vector.shape_cast %swap3A_485 : vector<1x1x16xf32> to vector<16xf32>
        %swap3A_487 = vector.shape_cast %mul3A_480 : vector<16xf32> to vector<1x1x16xf32>
        tpu.vector_store %arg7[%swap3A_482, %swap3A_483, %swap3A_484], %swap3A_487 {strides = array<i32>} : memref<2x128x64xf32, #tpu.memory_space<vmem>>, vector<1x1x16xf32>,
        %get3A_488 = arith.constant 1 : i32
        %get3A_489 = arith.index_cast %get3A_488 : i32 to index
        %get3A_490 = arith.index_cast %scan3A_441 : i32 to index
        %get3A_491 = arith.constant 48 : index
        %get3A_492 = tpu.vector_load %arg6[%get3A_489, %get3A_490, %get3A_491] {strides = array<i32>} : memref<2x128x128xf32, #tpu.memory_space<vmem>>, vector<1x1x16xf32>,
        %get3A_493 = vector.shape_cast %get3A_492 : vector<1x1x16xf32> to vector<16xf32>
        %mul3A_494 = arith.constant 8.000000e+00 : f32
        %mul3A_495 = vector.broadcast %mul3A_494 : f32 to vector<16xf32>
        %mul3A_496 = arith.mulf %get3A_493, %mul3A_495 : vector<16xf32>
        %swap3A_497 = arith.constant 1 : i32
        %swap3A_498 = arith.index_cast %swap3A_497 : i32 to index
        %swap3A_499 = arith.index_cast %scan3A_441 : i32 to index
        %swap3A_500 = arith.constant 48 : index
        %swap3A_501 = tpu.vector_load %arg7[%swap3A_498, %swap3A_499, %swap3A_500] {strides = array<i32>} : memref<2x128x64xf32, #tpu.memory_space<vmem>>, vector<1x1x16xf32>,
        %swap3A_502 = vector.shape_cast %swap3A_501 : vector<1x1x16xf32> to vector<16xf32>
        %swap3A_503 = vector.shape_cast %mul3A_496 : vector<16xf32> to vector<1x1x16xf32>
        tpu.vector_store %arg7[%swap3A_498, %swap3A_499, %swap3A_500], %swap3A_503 {strides = array<i32>} : memref<2x128x64xf32, #tpu.memory_space<vmem>>, vector<1x1x16xf32>,
      }
      %scan3A_405 = arith.constant 128 : i32
      %add3A_406 = arith.constant 2 : i32
      %add3A_407 = arith.addi %add3A_364, %add3A_406 : i32
      %mul3A_408 = arith.constant 128 : i32
      %mul3A_409 = arith.muli %add3A_407, %mul3A_408 : i32
      %dma_start3A_410 = arith.constant 1 : i32
      %dma_start3A_411 = arith.constant 1 : i32
      %dma_start3A_412 = arith.constant 0 : i32
      %dma_start3A_413 = arith.constant 0 : i32
      %dma_start3A_414 = tpu.memref_slice %arg6[%dma_start3A_410, %dma_start3A_412, %dma_start3A_413] : memref<2x128x128xf32, #tpu.memory_space<vmem>> -> memref<1x128x128xf32, #tpu.memory_space<vmem>>
      %dma_start3A_415 = tpu.memref_squeeze %dma_start3A_414 : memref<1x128x128xf32, #tpu.memory_space<vmem>> -> memref<128x128xf32, #tpu.memory_space<vmem>>
      %dma_start3A_416 = tpu.memref_slice %arg5[%mul3A_409] : memref<25600xi32, #tpu.memory_space<vmem>> -> memref<128xi32, #tpu.memory_space<vmem>>
      %dma_start3A_417 = arith.constant 0 : i32
      %dma_start3A_418 = arith.constant 0 : i32
      %dma_start3A_419 = tpu.memref_slice %arg3[%dma_start3A_417, %dma_start3A_418] : memref<1000000x128xf32, #tpu.memory_space<hbm>> -> memref<1000000x128xf32, #tpu.memory_space<hbm>>
      %dma_start3A_420 = tpu.memref_slice %arg8[%dma_start3A_411] : memref<2x!tpu.dma_semaphore, #tpu.memory_space<semaphore_mem>> -> memref<1x!tpu.dma_semaphore, #tpu.memory_space<semaphore_mem>>
      %dma_start3A_421 = tpu.memref_squeeze %dma_start3A_420 : memref<1x!tpu.dma_semaphore, #tpu.memory_space<semaphore_mem>> -> memref<!tpu.dma_semaphore, #tpu.memory_space<semaphore_mem>>
      tpu.enqueue_indirect_dma source(%dma_start3A_419 : memref<1000000x128xf32, #tpu.memory_space<hbm>>) target(%dma_start3A_415 : memref<128x128xf32, #tpu.memory_space<vmem>>) offsets(%dma_start3A_416 : memref<128xi32, #tpu.memory_space<vmem>>) semaphore(%dma_start3A_421 : memref<!tpu.dma_semaphore, #tpu.memory_space<semaphore_mem>>)
      %mul3A_422 = arith.constant 128 : i32
      %mul3A_423 = arith.muli %add3A_364, %mul3A_422 : i32
      %add3A_424 = arith.addi %mul3A_2, %mul3A_423 : i32
      %dma_start3A_425 = arith.constant 1 : i32
      %dma_start3A_426 = arith.constant 1 : i32
      %dma_start3A_427 = arith.constant 0 : i32
      %dma_start3A_428 = arith.constant 0 : i32
      %dma_start3A_429 = tpu.memref_slice %arg7[%dma_start3A_425, %dma_start3A_427, %dma_start3A_428] : memref<2x128x64xf32, #tpu.memory_space<vmem>> -> memref<1x128x64xf32, #tpu.memory_space<vmem>>
      %dma_start3A_430 = tpu.memref_squeeze %dma_start3A_429 : memref<1x128x64xf32, #tpu.memory_space<vmem>> -> memref<128x64xf32, #tpu.memory_space<vmem>>
      %dma_start3A_431 = arith.constant 0 : i32
      %dma_start3A_432 = tpu.memref_slice %arg4[%add3A_424, %dma_start3A_431] : memref<819200x64xf32, #tpu.memory_space<hbm>> -> memref<128x64xf32, #tpu.memory_space<hbm>>
      %dma_start3A_433 = tpu.memref_slice %arg9[%dma_start3A_426] : memref<2x!tpu.dma_semaphore, #tpu.memory_space<semaphore_mem>> -> memref<1x!tpu.dma_semaphore, #tpu.memory_space<semaphore_mem>>
      %dma_start3A_434 = tpu.memref_squeeze %dma_start3A_433 : memref<1x!tpu.dma_semaphore, #tpu.memory_space<semaphore_mem>> -> memref<!tpu.dma_semaphore, #tpu.memory_space<semaphore_mem>>
      %dma_start3A_435 = arith.constant 0 : i32
      %dma_start3A_436 = tpu.memref_slice %arg4[%add3A_424, %dma_start3A_435] : memref<819200x64xf32, #tpu.memory_space<hbm>> -> memref<128x64xf32, #tpu.memory_space<hbm>>
      %dma_start3A_437 = arith.constant 0 : i32
      %dma_start3A_438 = arith.constant 0 : i32
      %dma_start3A_439 = tpu.memref_slice %arg7[%dma_start3A_425, %dma_start3A_437, %dma_start3A_438] : memref<2x128x64xf32, #tpu.memory_space<vmem>> -> memref<1x128x64xf32, #tpu.memory_space<vmem>>
      %dma_start3A_440 = tpu.memref_squeeze %dma_start3A_439 : memref<1x128x64xf32, #tpu.memory_space<vmem>> -> memref<128x64xf32, #tpu.memory_space<vmem>>
      tpu.enqueue_dma source(%dma_start3A_440 : memref<128x64xf32, #tpu.memory_space<vmem>>) target(%dma_start3A_436 : memref<128x64xf32, #tpu.memory_space<hbm>>) target_semaphore(%dma_start3A_434 : memref<!tpu.dma_semaphore, #tpu.memory_space<semaphore_mem>>)
    }
    %scan3A_130 = arith.constant 98 : i32
    %dma_wait3A_131 = arith.constant 0 : i32
    %dma_wait3A_132 = arith.constant 0 : i32
    %dma_wait3A_133 = arith.constant 0 : i32
    %dma_wait3A_134 = arith.constant 0 : i32
    %dma_wait3A_135 = tpu.memref_slice %arg6[%dma_wait3A_131, %dma_wait3A_133, %dma_wait3A_134] : memref<2x128x128xf32, #tpu.memory_space<vmem>> -> memref<1x128x128xf32, #tpu.memory_space<vmem>>
    %dma_wait3A_136 = tpu.memref_squeeze %dma_wait3A_135 : memref<1x128x128xf32, #tpu.memory_space<vmem>> -> memref<128x128xf32, #tpu.memory_space<vmem>>
    %dma_wait3A_137 = arith.constant 25344 : i32
    %dma_wait3A_138 = tpu.memref_slice %arg5[%dma_wait3A_137] : memref<25600xi32, #tpu.memory_space<vmem>> -> memref<128xi32, #tpu.memory_space<vmem>>
    %dma_wait3A_139 = arith.constant 0 : i32
    %dma_wait3A_140 = arith.constant 0 : i32
    %dma_wait3A_141 = tpu.memref_slice %arg3[%dma_wait3A_139, %dma_wait3A_140] : memref<1000000x128xf32, #tpu.memory_space<hbm>> -> memref<1000000x128xf32, #tpu.memory_space<hbm>>
    %dma_wait3A_142 = tpu.memref_slice %arg8[%dma_wait3A_132] : memref<2x!tpu.dma_semaphore, #tpu.memory_space<semaphore_mem>> -> memref<1x!tpu.dma_semaphore, #tpu.memory_space<semaphore_mem>>
    %dma_wait3A_143 = tpu.memref_squeeze %dma_wait3A_142 : memref<1x!tpu.dma_semaphore, #tpu.memory_space<semaphore_mem>> -> memref<!tpu.dma_semaphore, #tpu.memory_space<semaphore_mem>>
    tpu.wait_indirect_dma semaphore(%dma_wait3A_143 : memref<!tpu.dma_semaphore, #tpu.memory_space<semaphore_mem>>) src(%dma_wait3A_141 : memref<1000000x128xf32, #tpu.memory_space<hbm>>) dst(%dma_wait3A_136 : memref<128x128xf32, #tpu.memory_space<vmem>>)
    %add3A_144 = arith.constant 25088 : i32
    %add3A_145 = arith.addi %mul3A_2, %add3A_144 : i32
    %dma_wait3A_146 = arith.constant 0 : i32
    %dma_wait3A_147 = arith.constant 0 : i32
    %dma_wait3A_148 = arith.constant 0 : i32
    %dma_wait3A_149 = arith.constant 0 : i32
    %dma_wait3A_150 = tpu.memref_slice %arg7[%dma_wait3A_146, %dma_wait3A_148, %dma_wait3A_149] : memref<2x128x64xf32, #tpu.memory_space<vmem>> -> memref<1x128x64xf32, #tpu.memory_space<vmem>>
    %dma_wait3A_151 = tpu.memref_squeeze %dma_wait3A_150 : memref<1x128x64xf32, #tpu.memory_space<vmem>> -> memref<128x64xf32, #tpu.memory_space<vmem>>
    %dma_wait3A_152 = arith.constant 0 : i32
    %dma_wait3A_153 = tpu.memref_slice %arg4[%add3A_145, %dma_wait3A_152] : memref<819200x64xf32, #tpu.memory_space<hbm>> -> memref<128x64xf32, #tpu.memory_space<hbm>>
    %dma_wait3A_154 = tpu.memref_slice %arg9[%dma_wait3A_147] : memref<2x!tpu.dma_semaphore, #tpu.memory_space<semaphore_mem>> -> memref<1x!tpu.dma_semaphore, #tpu.memory_space<semaphore_mem>>
    %dma_wait3A_155 = tpu.memref_squeeze %dma_wait3A_154 : memref<1x!tpu.dma_semaphore, #tpu.memory_space<semaphore_mem>> -> memref<!tpu.dma_semaphore, #tpu.memory_space<semaphore_mem>>
    %dma_wait3A_156 = arith.constant 0 : i32
    %dma_wait3A_157 = tpu.memref_slice %arg4[%add3A_145, %dma_wait3A_156] : memref<819200x64xf32, #tpu.memory_space<hbm>> -> memref<128x64xf32, #tpu.memory_space<hbm>>
    %dma_wait3A_158 = arith.constant 0 : i32
    %dma_wait3A_159 = arith.constant 0 : i32
    %dma_wait3A_160 = tpu.memref_slice %arg7[%dma_wait3A_146, %dma_wait3A_158, %dma_wait3A_159] : memref<2x128x64xf32, #tpu.memory_space<vmem>> -> memref<1x128x64xf32, #tpu.memory_space<vmem>>
    %dma_wait3A_161 = tpu.memref_squeeze %dma_wait3A_160 : memref<1x128x64xf32, #tpu.memory_space<vmem>> -> memref<128x64xf32, #tpu.memory_space<vmem>>
    tpu.wait_dma2 semaphore(%dma_wait3A_155 : memref<!tpu.dma_semaphore, #tpu.memory_space<semaphore_mem>>) src(%dma_wait3A_161 : memref<128x64xf32, #tpu.memory_space<vmem>>) dst(%dma_wait3A_157 : memref<128x64xf32, #tpu.memory_space<hbm>>)
    %scan3A_162 = arith.constant 0 : i32
    %scan3A_163 = arith.constant 0 : i32
    %scan3A_164 = arith.constant 128 : i32
    %scan3A_165 = arith.addi %scan3A_163, %scan3A_164 : i32
    %scan3A_166 = arith.constant 1 : i32
    scf.for %scan3A_277 = %scan3A_163 to %scan3A_165 step %scan3A_166  : i32 {
      %get3A = arith.constant 0 : i32
      %get3A_278 = arith.index_cast %get3A : i32 to index
      %get3A_279 = arith.index_cast %scan3A_277 : i32 to index
      %get3A_280 = arith.constant 0 : index
      %get3A_281 = tpu.vector_load %arg6[%get3A_278, %get3A_279, %get3A_280] {strides = array<i32>} : memref<2x128x128xf32, #tpu.memory_space<vmem>>, vector<1x1x16xf32>,
      %get3A_282 = vector.shape_cast %get3A_281 : vector<1x1x16xf32> to vector<16xf32>
      %mul3A_283 = arith.constant 8.000000e+00 : f32
      %mul3A_284 = vector.broadcast %mul3A_283 : f32 to vector<16xf32>
      %mul3A_285 = arith.mulf %get3A_282, %mul3A_284 : vector<16xf32>
      %swap3A = arith.constant 0 : i32
      %swap3A_286 = arith.index_cast %swap3A : i32 to index
      %swap3A_287 = arith.index_cast %scan3A_277 : i32 to index
      %swap3A_288 = arith.constant 0 : index
      %swap3A_289 = tpu.vector_load %arg7[%swap3A_286, %swap3A_287, %swap3A_288] {strides = array<i32>} : memref<2x128x64xf32, #tpu.memory_space<vmem>>, vector<1x1x16xf32>,
      %swap3A_290 = vector.shape_cast %swap3A_289 : vector<1x1x16xf32> to vector<16xf32>
      %swap3A_291 = vector.shape_cast %mul3A_285 : vector<16xf32> to vector<1x1x16xf32>
      tpu.vector_store %arg7[%swap3A_286, %swap3A_287, %swap3A_288], %swap3A_291 {strides = array<i32>} : memref<2x128x64xf32, #tpu.memory_space<vmem>>, vector<1x1x16xf32>,
      %get3A_292 = arith.constant 0 : i32
      %get3A_293 = arith.index_cast %get3A_292 : i32 to index
      %get3A_294 = arith.index_cast %scan3A_277 : i32 to index
      %get3A_295 = arith.constant 16 : index
      %get3A_296 = tpu.vector_load %arg6[%get3A_293, %get3A_294, %get3A_295] {strides = array<i32>} : memref<2x128x128xf32, #tpu.memory_space<vmem>>, vector<1x1x16xf32>,
      %get3A_297 = vector.shape_cast %get3A_296 : vector<1x1x16xf32> to vector<16xf32>
      %mul3A_298 = arith.constant 8.000000e+00 : f32
      %mul3A_299 = vector.broadcast %mul3A_298 : f32 to vector<16xf32>
      %mul3A_300 = arith.mulf %get3A_297, %mul3A_299 : vector<16xf32>
      %swap3A_301 = arith.constant 0 : i32
      %swap3A_302 = arith.index_cast %swap3A_301 : i32 to index
      %swap3A_303 = arith.index_cast %scan3A_277 : i32 to index
      %swap3A_304 = arith.constant 16 : index
      %swap3A_305 = tpu.vector_load %arg7[%swap3A_302, %swap3A_303, %swap3A_304] {strides = array<i32>} : memref<2x128x64xf32, #tpu.memory_space<vmem>>, vector<1x1x16xf32>,
      %swap3A_306 = vector.shape_cast %swap3A_305 : vector<1x1x16xf32> to vector<16xf32>
      %swap3A_307 = vector.shape_cast %mul3A_300 : vector<16xf32> to vector<1x1x16xf32>
      tpu.vector_store %arg7[%swap3A_302, %swap3A_303, %swap3A_304], %swap3A_307 {strides = array<i32>} : memref<2x128x64xf32, #tpu.memory_space<vmem>>, vector<1x1x16xf32>,
      %get3A_308 = arith.constant 0 : i32
      %get3A_309 = arith.index_cast %get3A_308 : i32 to index
      %get3A_310 = arith.index_cast %scan3A_277 : i32 to index
      %get3A_311 = arith.constant 32 : index
      %get3A_312 = tpu.vector_load %arg6[%get3A_309, %get3A_310, %get3A_311] {strides = array<i32>} : memref<2x128x128xf32, #tpu.memory_space<vmem>>, vector<1x1x16xf32>,
      %get3A_313 = vector.shape_cast %get3A_312 : vector<1x1x16xf32> to vector<16xf32>
      %mul3A_314 = arith.constant 8.000000e+00 : f32
      %mul3A_315 = vector.broadcast %mul3A_314 : f32 to vector<16xf32>
      %mul3A_316 = arith.mulf %get3A_313, %mul3A_315 : vector<16xf32>
      %swap3A_317 = arith.constant 0 : i32
      %swap3A_318 = arith.index_cast %swap3A_317 : i32 to index
      %swap3A_319 = arith.index_cast %scan3A_277 : i32 to index
      %swap3A_320 = arith.constant 32 : index
      %swap3A_321 = tpu.vector_load %arg7[%swap3A_318, %swap3A_319, %swap3A_320] {strides = array<i32>} : memref<2x128x64xf32, #tpu.memory_space<vmem>>, vector<1x1x16xf32>,
      %swap3A_322 = vector.shape_cast %swap3A_321 : vector<1x1x16xf32> to vector<16xf32>
      %swap3A_323 = vector.shape_cast %mul3A_316 : vector<16xf32> to vector<1x1x16xf32>
      tpu.vector_store %arg7[%swap3A_318, %swap3A_319, %swap3A_320], %swap3A_323 {strides = array<i32>} : memref<2x128x64xf32, #tpu.memory_space<vmem>>, vector<1x1x16xf32>,
      %get3A_324 = arith.constant 0 : i32
      %get3A_325 = arith.index_cast %get3A_324 : i32 to index
      %get3A_326 = arith.index_cast %scan3A_277 : i32 to index
      %get3A_327 = arith.constant 48 : index
      %get3A_328 = tpu.vector_load %arg6[%get3A_325, %get3A_326, %get3A_327] {strides = array<i32>} : memref<2x128x128xf32, #tpu.memory_space<vmem>>, vector<1x1x16xf32>,
      %get3A_329 = vector.shape_cast %get3A_328 : vector<1x1x16xf32> to vector<16xf32>
      %mul3A_330 = arith.constant 8.000000e+00 : f32
      %mul3A_331 = vector.broadcast %mul3A_330 : f32 to vector<16xf32>
      %mul3A_332 = arith.mulf %get3A_329, %mul3A_331 : vector<16xf32>
      %swap3A_333 = arith.constant 0 : i32
      %swap3A_334 = arith.index_cast %swap3A_333 : i32 to index
      %swap3A_335 = arith.index_cast %scan3A_277 : i32 to index
      %swap3A_336 = arith.constant 48 : index
      %swap3A_337 = tpu.vector_load %arg7[%swap3A_334, %swap3A_335, %swap3A_336] {strides = array<i32>} : memref<2x128x64xf32, #tpu.memory_space<vmem>>, vector<1x1x16xf32>,
      %swap3A_338 = vector.shape_cast %swap3A_337 : vector<1x1x16xf32> to vector<16xf32>
      %swap3A_339 = vector.shape_cast %mul3A_332 : vector<16xf32> to vector<1x1x16xf32>
      tpu.vector_store %arg7[%swap3A_334, %swap3A_335, %swap3A_336], %swap3A_339 {strides = array<i32>} : memref<2x128x64xf32, #tpu.memory_space<vmem>>, vector<1x1x16xf32>,
    }
    %scan3A_167 = arith.constant 128 : i32
    %add3A_168 = arith.constant 25344 : i32
    %add3A_169 = arith.addi %mul3A_2, %add3A_168 : i32
    %dma_start3A_170 = arith.constant 0 : i32
    %dma_start3A_171 = arith.constant 0 : i32
    %dma_start3A_172 = arith.constant 0 : i32
    %dma_start3A_173 = arith.constant 0 : i32
    %dma_start3A_174 = tpu.memref_slice %arg7[%dma_start3A_170, %dma_start3A_172, %dma_start3A_173] : memref<2x128x64xf32, #tpu.memory_space<vmem>> -> memref<1x128x64xf32, #tpu.memory_space<vmem>>
    %dma_start3A_175 = tpu.memref_squeeze %dma_start3A_174 : memref<1x128x64xf32, #tpu.memory_space<vmem>> -> memref<128x64xf32, #tpu.memory_space<vmem>>
    %dma_start3A_176 = arith.constant 0 : i32
    %dma_start3A_177 = tpu.memref_slice %arg4[%add3A_169, %dma_start3A_176] : memref<819200x64xf32, #tpu.memory_space<hbm>> -> memref<128x64xf32, #tpu.memory_space<hbm>>
    %dma_start3A_178 = tpu.memref_slice %arg9[%dma_start3A_171] : memref<2x!tpu.dma_semaphore, #tpu.memory_space<semaphore_mem>> -> memref<1x!tpu.dma_semaphore, #tpu.memory_space<semaphore_mem>>
    %dma_start3A_179 = tpu.memref_squeeze %dma_start3A_178 : memref<1x!tpu.dma_semaphore, #tpu.memory_space<semaphore_mem>> -> memref<!tpu.dma_semaphore, #tpu.memory_space<semaphore_mem>>
    %dma_start3A_180 = arith.constant 0 : i32
    %dma_start3A_181 = tpu.memref_slice %arg4[%add3A_169, %dma_start3A_180] : memref<819200x64xf32, #tpu.memory_space<hbm>> -> memref<128x64xf32, #tpu.memory_space<hbm>>
    %dma_start3A_182 = arith.constant 0 : i32
    %dma_start3A_183 = arith.constant 0 : i32
    %dma_start3A_184 = tpu.memref_slice %arg7[%dma_start3A_170, %dma_start3A_182, %dma_start3A_183] : memref<2x128x64xf32, #tpu.memory_space<vmem>> -> memref<1x128x64xf32, #tpu.memory_space<vmem>>
    %dma_start3A_185 = tpu.memref_squeeze %dma_start3A_184 : memref<1x128x64xf32, #tpu.memory_space<vmem>> -> memref<128x64xf32, #tpu.memory_space<vmem>>
    tpu.enqueue_dma source(%dma_start3A_185 : memref<128x64xf32, #tpu.memory_space<vmem>>) target(%dma_start3A_181 : memref<128x64xf32, #tpu.memory_space<hbm>>) target_semaphore(%dma_start3A_179 : memref<!tpu.dma_semaphore, #tpu.memory_space<semaphore_mem>>)
    %dma_wait3A_186 = arith.constant 1 : i32
    %dma_wait3A_187 = arith.constant 1 : i32
    %dma_wait3A_188 = arith.constant 0 : i32
    %dma_wait3A_189 = arith.constant 0 : i32
    %dma_wait3A_190 = tpu.memref_slice %arg6[%dma_wait3A_186, %dma_wait3A_188, %dma_wait3A_189] : memref<2x128x128xf32, #tpu.memory_space<vmem>> -> memref<1x128x128xf32, #tpu.memory_space<vmem>>
    %dma_wait3A_191 = tpu.memref_squeeze %dma_wait3A_190 : memref<1x128x128xf32, #tpu.memory_space<vmem>> -> memref<128x128xf32, #tpu.memory_space<vmem>>
    %dma_wait3A_192 = arith.constant 25472 : i32
    %dma_wait3A_193 = tpu.memref_slice %arg5[%dma_wait3A_192] : memref<25600xi32, #tpu.memory_space<vmem>> -> memref<128xi32, #tpu.memory_space<vmem>>
    %dma_wait3A_194 = arith.constant 0 : i32
    %dma_wait3A_195 = arith.constant 0 : i32
    %dma_wait3A_196 = tpu.memref_slice %arg3[%dma_wait3A_194, %dma_wait3A_195] : memref<1000000x128xf32, #tpu.memory_space<hbm>> -> memref<1000000x128xf32, #tpu.memory_space<hbm>>
    %dma_wait3A_197 = tpu.memref_slice %arg8[%dma_wait3A_187] : memref<2x!tpu.dma_semaphore, #tpu.memory_space<semaphore_mem>> -> memref<1x!tpu.dma_semaphore, #tpu.memory_space<semaphore_mem>>
    %dma_wait3A_198 = tpu.memref_squeeze %dma_wait3A_197 : memref<1x!tpu.dma_semaphore, #tpu.memory_space<semaphore_mem>> -> memref<!tpu.dma_semaphore, #tpu.memory_space<semaphore_mem>>
    tpu.wait_indirect_dma semaphore(%dma_wait3A_198 : memref<!tpu.dma_semaphore, #tpu.memory_space<semaphore_mem>>) src(%dma_wait3A_196 : memref<1000000x128xf32, #tpu.memory_space<hbm>>) dst(%dma_wait3A_191 : memref<128x128xf32, #tpu.memory_space<vmem>>)
    %add3A_199 = arith.constant 25216 : i32
    %add3A_200 = arith.addi %mul3A_2, %add3A_199 : i32
    %dma_wait3A_201 = arith.constant 1 : i32
    %dma_wait3A_202 = arith.constant 1 : i32
    %dma_wait3A_203 = arith.constant 0 : i32
    %dma_wait3A_204 = arith.constant 0 : i32
    %dma_wait3A_205 = tpu.memref_slice %arg7[%dma_wait3A_201, %dma_wait3A_203, %dma_wait3A_204] : memref<2x128x64xf32, #tpu.memory_space<vmem>> -> memref<1x128x64xf32, #tpu.memory_space<vmem>>
    %dma_wait3A_206 = tpu.memref_squeeze %dma_wait3A_205 : memref<1x128x64xf32, #tpu.memory_space<vmem>> -> memref<128x64xf32, #tpu.memory_space<vmem>>
    %dma_wait3A_207 = arith.constant 0 : i32
    %dma_wait3A_208 = tpu.memref_slice %arg4[%add3A_200, %dma_wait3A_207] : memref<819200x64xf32, #tpu.memory_space<hbm>> -> memref<128x64xf32, #tpu.memory_space<hbm>>
    %dma_wait3A_209 = tpu.memref_slice %arg9[%dma_wait3A_202] : memref<2x!tpu.dma_semaphore, #tpu.memory_space<semaphore_mem>> -> memref<1x!tpu.dma_semaphore, #tpu.memory_space<semaphore_mem>>
    %dma_wait3A_210 = tpu.memref_squeeze %dma_wait3A_209 : memref<1x!tpu.dma_semaphore, #tpu.memory_space<semaphore_mem>> -> memref<!tpu.dma_semaphore, #tpu.memory_space<semaphore_mem>>
    %dma_wait3A_211 = arith.constant 0 : i32
    %dma_wait3A_212 = tpu.memref_slice %arg4[%add3A_200, %dma_wait3A_211] : memref<819200x64xf32, #tpu.memory_space<hbm>> -> memref<128x64xf32, #tpu.memory_space<hbm>>
    %dma_wait3A_213 = arith.constant 0 : i32
    %dma_wait3A_214 = arith.constant 0 : i32
    %dma_wait3A_215 = tpu.memref_slice %arg7[%dma_wait3A_201, %dma_wait3A_213, %dma_wait3A_214] : memref<2x128x64xf32, #tpu.memory_space<vmem>> -> memref<1x128x64xf32, #tpu.memory_space<vmem>>
    %dma_wait3A_216 = tpu.memref_squeeze %dma_wait3A_215 : memref<1x128x64xf32, #tpu.memory_space<vmem>> -> memref<128x64xf32, #tpu.memory_space<vmem>>
    tpu.wait_dma2 semaphore(%dma_wait3A_210 : memref<!tpu.dma_semaphore, #tpu.memory_space<semaphore_mem>>) src(%dma_wait3A_216 : memref<128x64xf32, #tpu.memory_space<vmem>>) dst(%dma_wait3A_212 : memref<128x64xf32, #tpu.memory_space<hbm>>)
    %scan3A_217 = arith.constant 0 : i32
    %scan3A_218 = arith.constant 0 : i32
    %scan3A_219 = arith.constant 128 : i32
    %scan3A_220 = arith.addi %scan3A_218, %scan3A_219 : i32
    %scan3A_221 = arith.constant 1 : i32
    scf.for %scan3A_277 = %scan3A_218 to %scan3A_220 step %scan3A_221  : i32 {
      %get3A = arith.constant 1 : i32
      %get3A_278 = arith.index_cast %get3A : i32 to index
      %get3A_279 = arith.index_cast %scan3A_277 : i32 to index
      %get3A_280 = arith.constant 0 : index
      %get3A_281 = tpu.vector_load %arg6[%get3A_278, %get3A_279, %get3A_280] {strides = array<i32>} : memref<2x128x128xf32, #tpu.memory_space<vmem>>, vector<1x1x16xf32>,
      %get3A_282 = vector.shape_cast %get3A_281 : vector<1x1x16xf32> to vector<16xf32>
      %mul3A_283 = arith.constant 8.000000e+00 : f32
      %mul3A_284 = vector.broadcast %mul3A_283 : f32 to vector<16xf32>
      %mul3A_285 = arith.mulf %get3A_282, %mul3A_284 : vector<16xf32>
      %swap3A = arith.constant 1 : i32
      %swap3A_286 = arith.index_cast %swap3A : i32 to index
      %swap3A_287 = arith.index_cast %scan3A_277 : i32 to index
      %swap3A_288 = arith.constant 0 : index
      %swap3A_289 = tpu.vector_load %arg7[%swap3A_286, %swap3A_287, %swap3A_288] {strides = array<i32>} : memref<2x128x64xf32, #tpu.memory_space<vmem>>, vector<1x1x16xf32>,
      %swap3A_290 = vector.shape_cast %swap3A_289 : vector<1x1x16xf32> to vector<16xf32>
      %swap3A_291 = vector.shape_cast %mul3A_285 : vector<16xf32> to vector<1x1x16xf32>
      tpu.vector_store %arg7[%swap3A_286, %swap3A_287, %swap3A_288], %swap3A_291 {strides = array<i32>} : memref<2x128x64xf32, #tpu.memory_space<vmem>>, vector<1x1x16xf32>,
      %get3A_292 = arith.constant 1 : i32
      %get3A_293 = arith.index_cast %get3A_292 : i32 to index
      %get3A_294 = arith.index_cast %scan3A_277 : i32 to index
      %get3A_295 = arith.constant 16 : index
      %get3A_296 = tpu.vector_load %arg6[%get3A_293, %get3A_294, %get3A_295] {strides = array<i32>} : memref<2x128x128xf32, #tpu.memory_space<vmem>>, vector<1x1x16xf32>,
      %get3A_297 = vector.shape_cast %get3A_296 : vector<1x1x16xf32> to vector<16xf32>
      %mul3A_298 = arith.constant 8.000000e+00 : f32
      %mul3A_299 = vector.broadcast %mul3A_298 : f32 to vector<16xf32>
      %mul3A_300 = arith.mulf %get3A_297, %mul3A_299 : vector<16xf32>
      %swap3A_301 = arith.constant 1 : i32
      %swap3A_302 = arith.index_cast %swap3A_301 : i32 to index
      %swap3A_303 = arith.index_cast %scan3A_277 : i32 to index
      %swap3A_304 = arith.constant 16 : index
      %swap3A_305 = tpu.vector_load %arg7[%swap3A_302, %swap3A_303, %swap3A_304] {strides = array<i32>} : memref<2x128x64xf32, #tpu.memory_space<vmem>>, vector<1x1x16xf32>,
      %swap3A_306 = vector.shape_cast %swap3A_305 : vector<1x1x16xf32> to vector<16xf32>
      %swap3A_307 = vector.shape_cast %mul3A_300 : vector<16xf32> to vector<1x1x16xf32>
      tpu.vector_store %arg7[%swap3A_302, %swap3A_303, %swap3A_304], %swap3A_307 {strides = array<i32>} : memref<2x128x64xf32, #tpu.memory_space<vmem>>, vector<1x1x16xf32>,
      %get3A_308 = arith.constant 1 : i32
      %get3A_309 = arith.index_cast %get3A_308 : i32 to index
      %get3A_310 = arith.index_cast %scan3A_277 : i32 to index
      %get3A_311 = arith.constant 32 : index
      %get3A_312 = tpu.vector_load %arg6[%get3A_309, %get3A_310, %get3A_311] {strides = array<i32>} : memref<2x128x128xf32, #tpu.memory_space<vmem>>, vector<1x1x16xf32>,
      %get3A_313 = vector.shape_cast %get3A_312 : vector<1x1x16xf32> to vector<16xf32>
      %mul3A_314 = arith.constant 8.000000e+00 : f32
      %mul3A_315 = vector.broadcast %mul3A_314 : f32 to vector<16xf32>
      %mul3A_316 = arith.mulf %get3A_313, %mul3A_315 : vector<16xf32>
      %swap3A_317 = arith.constant 1 : i32
      %swap3A_318 = arith.index_cast %swap3A_317 : i32 to index
      %swap3A_319 = arith.index_cast %scan3A_277 : i32 to index
      %swap3A_320 = arith.constant 32 : index
      %swap3A_321 = tpu.vector_load %arg7[%swap3A_318, %swap3A_319, %swap3A_320] {strides = array<i32>} : memref<2x128x64xf32, #tpu.memory_space<vmem>>, vector<1x1x16xf32>,
      %swap3A_322 = vector.shape_cast %swap3A_321 : vector<1x1x16xf32> to vector<16xf32>
      %swap3A_323 = vector.shape_cast %mul3A_316 : vector<16xf32> to vector<1x1x16xf32>
      tpu.vector_store %arg7[%swap3A_318, %swap3A_319, %swap3A_320], %swap3A_323 {strides = array<i32>} : memref<2x128x64xf32, #tpu.memory_space<vmem>>, vector<1x1x16xf32>,
      %get3A_324 = arith.constant 1 : i32
      %get3A_325 = arith.index_cast %get3A_324 : i32 to index
      %get3A_326 = arith.index_cast %scan3A_277 : i32 to index
      %get3A_327 = arith.constant 48 : index
      %get3A_328 = tpu.vector_load %arg6[%get3A_325, %get3A_326, %get3A_327] {strides = array<i32>} : memref<2x128x128xf32, #tpu.memory_space<vmem>>, vector<1x1x16xf32>,
      %get3A_329 = vector.shape_cast %get3A_328 : vector<1x1x16xf32> to vector<16xf32>
      %mul3A_330 = arith.constant 8.000000e+00 : f32
      %mul3A_331 = vector.broadcast %mul3A_330 : f32 to vector<16xf32>
      %mul3A_332 = arith.mulf %get3A_329, %mul3A_331 : vector<16xf32>
      %swap3A_333 = arith.constant 1 : i32
      %swap3A_334 = arith.index_cast %swap3A_333 : i32 to index
      %swap3A_335 = arith.index_cast %scan3A_277 : i32 to index
      %swap3A_336 = arith.constant 48 : index
      %swap3A_337 = tpu.vector_load %arg7[%swap3A_334, %swap3A_335, %swap3A_336] {strides = array<i32>} : memref<2x128x64xf32, #tpu.memory_space<vmem>>, vector<1x1x16xf32>,
      %swap3A_338 = vector.shape_cast %swap3A_337 : vector<1x1x16xf32> to vector<16xf32>
      %swap3A_339 = vector.shape_cast %mul3A_332 : vector<16xf32> to vector<1x1x16xf32>
      tpu.vector_store %arg7[%swap3A_334, %swap3A_335, %swap3A_336], %swap3A_339 {strides = array<i32>} : memref<2x128x64xf32, #tpu.memory_space<vmem>>, vector<1x1x16xf32>,
    }
    %scan3A_222 = arith.constant 128 : i32
    %add3A_223 = arith.constant 25472 : i32
    %add3A_224 = arith.addi %mul3A_2, %add3A_223 : i32
    %dma_start3A_225 = arith.constant 1 : i32
    %dma_start3A_226 = arith.constant 1 : i32
    %dma_start3A_227 = arith.constant 0 : i32
    %dma_start3A_228 = arith.constant 0 : i32
    %dma_start3A_229 = tpu.memref_slice %arg7[%dma_start3A_225, %dma_start3A_227, %dma_start3A_228] : memref<2x128x64xf32, #tpu.memory_space<vmem>> -> memref<1x128x64xf32, #tpu.memory_space<vmem>>
    %dma_start3A_230 = tpu.memref_squeeze %dma_start3A_229 : memref<1x128x64xf32, #tpu.memory_space<vmem>> -> memref<128x64xf32, #tpu.memory_space<vmem>>
    %dma_start3A_231 = arith.constant 0 : i32
    %dma_start3A_232 = tpu.memref_slice %arg4[%add3A_224, %dma_start3A_231] : memref<819200x64xf32, #tpu.memory_space<hbm>> -> memref<128x64xf32, #tpu.memory_space<hbm>>
    %dma_start3A_233 = tpu.memref_slice %arg9[%dma_start3A_226] : memref<2x!tpu.dma_semaphore, #tpu.memory_space<semaphore_mem>> -> memref<1x!tpu.dma_semaphore, #tpu.memory_space<semaphore_mem>>
    %dma_start3A_234 = tpu.memref_squeeze %dma_start3A_233 : memref<1x!tpu.dma_semaphore, #tpu.memory_space<semaphore_mem>> -> memref<!tpu.dma_semaphore, #tpu.memory_space<semaphore_mem>>
    %dma_start3A_235 = arith.constant 0 : i32
    %dma_start3A_236 = tpu.memref_slice %arg4[%add3A_224, %dma_start3A_235] : memref<819200x64xf32, #tpu.memory_space<hbm>> -> memref<128x64xf32, #tpu.memory_space<hbm>>
    %dma_start3A_237 = arith.constant 0 : i32
    %dma_start3A_238 = arith.constant 0 : i32
    %dma_start3A_239 = tpu.memref_slice %arg7[%dma_start3A_225, %dma_start3A_237, %dma_start3A_238] : memref<2x128x64xf32, #tpu.memory_space<vmem>> -> memref<1x128x64xf32, #tpu.memory_space<vmem>>
    %dma_start3A_240 = tpu.memref_squeeze %dma_start3A_239 : memref<1x128x64xf32, #tpu.memory_space<vmem>> -> memref<128x64xf32, #tpu.memory_space<vmem>>
    tpu.enqueue_dma source(%dma_start3A_240 : memref<128x64xf32, #tpu.memory_space<vmem>>) target(%dma_start3A_236 : memref<128x64xf32, #tpu.memory_space<hbm>>) target_semaphore(%dma_start3A_234 : memref<!tpu.dma_semaphore, #tpu.memory_space<semaphore_mem>>)
    %add3A_241 = arith.constant 25344 : i32
    %add3A_242 = arith.addi %mul3A_2, %add3A_241 : i32
    %dma_wait3A_243 = arith.constant 0 : i32
    %dma_wait3A_244 = arith.constant 0 : i32
    %dma_wait3A_245 = arith.constant 0 : i32
    %dma_wait3A_246 = arith.constant 0 : i32
    %dma_wait3A_247 = tpu.memref_slice %arg7[%dma_wait3A_243, %dma_wait3A_245, %dma_wait3A_246] : memref<2x128x64xf32, #tpu.memory_space<vmem>> -> memref<1x128x64xf32, #tpu.memory_space<vmem>>
    %dma_wait3A_248 = tpu.memref_squeeze %dma_wait3A_247 : memref<1x128x64xf32, #tpu.memory_space<vmem>> -> memref<128x64xf32, #tpu.memory_space<vmem>>
    %dma_wait3A_249 = arith.constant 0 : i32
    %dma_wait3A_250 = tpu.memref_slice %arg4[%add3A_242, %dma_wait3A_249] : memref<819200x64xf32, #tpu.memory_space<hbm>> -> memref<128x64xf32, #tpu.memory_space<hbm>>
    %dma_wait3A_251 = tpu.memref_slice %arg9[%dma_wait3A_244] : memref<2x!tpu.dma_semaphore, #tpu.memory_space<semaphore_mem>> -> memref<1x!tpu.dma_semaphore, #tpu.memory_space<semaphore_mem>>
    %dma_wait3A_252 = tpu.memref_squeeze %dma_wait3A_251 : memref<1x!tpu.dma_semaphore, #tpu.memory_space<semaphore_mem>> -> memref<!tpu.dma_semaphore, #tpu.memory_space<semaphore_mem>>
    %dma_wait3A_253 = arith.constant 0 : i32
    %dma_wait3A_254 = tpu.memref_slice %arg4[%add3A_242, %dma_wait3A_253] : memref<819200x64xf32, #tpu.memory_space<hbm>> -> memref<128x64xf32, #tpu.memory_space<hbm>>
    %dma_wait3A_255 = arith.constant 0 : i32
    %dma_wait3A_256 = arith.constant 0 : i32
    %dma_wait3A_257 = tpu.memref_slice %arg7[%dma_wait3A_243, %dma_wait3A_255, %dma_wait3A_256] : memref<2x128x64xf32, #tpu.memory_space<vmem>> -> memref<1x128x64xf32, #tpu.memory_space<vmem>>
    %dma_wait3A_258 = tpu.memref_squeeze %dma_wait3A_257 : memref<1x128x64xf32, #tpu.memory_space<vmem>> -> memref<128x64xf32, #tpu.memory_space<vmem>>
    tpu.wait_dma2 semaphore(%dma_wait3A_252 : memref<!tpu.dma_semaphore, #tpu.memory_space<semaphore_mem>>) src(%dma_wait3A_258 : memref<128x64xf32, #tpu.memory_space<vmem>>) dst(%dma_wait3A_254 : memref<128x64xf32, #tpu.memory_space<hbm>>)
    %add3A_259 = arith.constant 25472 : i32
    %add3A_260 = arith.addi %mul3A_2, %add3A_259 : i32
    %dma_wait3A_261 = arith.constant 1 : i32
    %dma_wait3A_262 = arith.constant 1 : i32
    %dma_wait3A_263 = arith.constant 0 : i32
    %dma_wait3A_264 = arith.constant 0 : i32
    %dma_wait3A_265 = tpu.memref_slice %arg7[%dma_wait3A_261, %dma_wait3A_263, %dma_wait3A_264] : memref<2x128x64xf32, #tpu.memory_space<vmem>> -> memref<1x128x64xf32, #tpu.memory_space<vmem>>
    %dma_wait3A_266 = tpu.memref_squeeze %dma_wait3A_265 : memref<1x128x64xf32, #tpu.memory_space<vmem>> -> memref<128x64xf32, #tpu.memory_space<vmem>>
    %dma_wait3A_267 = arith.constant 0 : i32
    %dma_wait3A_268 = tpu.memref_slice %arg4[%add3A_260, %dma_wait3A_267] : memref<819200x64xf32, #tpu.memory_space<hbm>> -> memref<128x64xf32, #tpu.memory_space<hbm>>
    %dma_wait3A_269 = tpu.memref_slice %arg9[%dma_wait3A_262] : memref<2x!tpu.dma_semaphore, #tpu.memory_space<semaphore_mem>> -> memref<1x!tpu.dma_semaphore, #tpu.memory_space<semaphore_mem>>
    %dma_wait3A_270 = tpu.memref_squeeze %dma_wait3A_269 : memref<1x!tpu.dma_semaphore, #tpu.memory_space<semaphore_mem>> -> memref<!tpu.dma_semaphore, #tpu.memory_space<semaphore_mem>>
    %dma_wait3A_271 = arith.constant 0 : i32
    %dma_wait3A_272 = tpu.memref_slice %arg4[%add3A_260, %dma_wait3A_271] : memref<819200x64xf32, #tpu.memory_space<hbm>> -> memref<128x64xf32, #tpu.memory_space<hbm>>
    %dma_wait3A_273 = arith.constant 0 : i32
    %dma_wait3A_274 = arith.constant 0 : i32
    %dma_wait3A_275 = tpu.memref_slice %arg7[%dma_wait3A_261, %dma_wait3A_273, %dma_wait3A_274] : memref<2x128x64xf32, #tpu.memory_space<vmem>> -> memref<1x128x64xf32, #tpu.memory_space<vmem>>
    %dma_wait3A_276 = tpu.memref_squeeze %dma_wait3A_275 : memref<1x128x64xf32, #tpu.memory_space<vmem>> -> memref<128x64xf32, #tpu.memory_space<vmem>>
    tpu.wait_dma2 semaphore(%dma_wait3A_270 : memref<!tpu.dma_semaphore, #tpu.memory_space<semaphore_mem>>) src(%dma_wait3A_276 : memref<128x64xf32, #tpu.memory_space<vmem>>) dst(%dma_wait3A_272 : memref<128x64xf32, #tpu.memory_space<hbm>>)
    return
  }
}

</mosaic_0001>

<sc_bundles>
// kernel: kernel.3.cloned.1.call-start
scs
__scs_entry_jumppad:
0x0: {  	(pc) =	sbr.rel $0x88, $3  }
0x1: {  	(tag) =	ssettag $0x0;
	lr =	simm.s32 $0x1  }
0x2: {  	[smem:$0x3F9F] =	sst lr;
	_ =	strace $0xD0000000  }
0x3: {  	_ = 	snop  }
0x4: {  	_ = 	snop  }
0x5: {  	_ = 	snop  }
0x6: {  	_ = 	snop  }
0x7: {  	_ = 	snop  }
__scs_overlays_trampoline_lowered:
0x8: {  	[smem:$0x3FAE] =	sst s0  }
0x9: {  	[smem:$0x3FAF] =	sst s1  }
0xa: {  	[smem:$0x3FB0] =	sst s2  }
0xb: {  	[smem:$0x3FB1] =	sst s3  }
0xc: {  	[smem:$0x3FB2] =	sst s4  }
0xd: {  	[smem:$0x3FB3] =	sst s5  }
0xe: {  	[smem:$0x3FB4] =	sst s6  }
0xf: {  	[smem:$0x3FB5] =	sst s7  }
0x10: {  	[smem:$0x3FB6] =	sst s8  }
0x11: {  	[smem:$0x3FB7] =	sst s9;
	s0 =	simm.s32 @!p0 $0x0  }
0x12: {  	s1 =	sld [smem:$0x3F9D];
	s0 =	simm.s32 @p0 $0x1  }
0x13: {  	[smem:$0x3FB8] =	sst s0;
	s0 =	simm.s32 @!p1 $0x0  }
0x14: {  	s2 =	sld [smem:$0x3F9C];
	s0 =	simm.s32 @p1 $0x1  }
0x15: {  	[smem:$0x3FB9] =	sst s0;
	s0 =	simm.s32 @!p2 $0x0  }
0x16: {  	s3 =	sld [smem:$0x3FDB];
	s0 =	simm.s32 @p2 $0x1  }
0x17: {  	s4 =	simm.s32 $0x1BF5;
	[smem:$0x3FBB] =	sst s0  }
0x18: {  	s0 =	sld [smem:$0x3F9E];
	_ =	swait.ge [sflag:s4], $0x0  }
0x19: {  	s7 =	sld [smem:$0x3F9F]  }
0x1a: {  	s8 =	sadd.s32 $0xFFFFE003, lr  }
0x1b: {  	s9 =	sadd.s32 $0xFFFFFEF7, lr;
	s5 =	simm.s32 $0xFFFFFFFF;
	p2 =	slt.u32 s8, $0xFFFFF086  }
0x1c: {  	p1 =	slt.u32 s9, $0xF7A;
	s5 =	simm.s32 @!p2 $0x0  }
0x1d: {  	s5 =	simm.s32 @p1 $0x1;
	p0 =	seq.s32 s7, s2  }
0x1e: {  	s7 =	smul.u32 @!p0 $0xF7A, s2;
	p2 =	seq.s32 @!p0 s5, $0x0  }
0x1f: {  	s9 =	smul.u32 $0xF7A, s1;
	s8 =	simm.s32 @!p0 $0x1BF5;
	p2 =	por !p2, p0  }
0x20: {  	[sflag:s8] =	ssyncset.s32 @!p0 $0xFFFFF086;
	s6 =	sadd.s32 @!p0 s3, s7;
	s7 =	simm.s32 @!p0 $0x108  }
0x21: {  	s3 =	sadd.s32 s3, s9;
	s6 =	sadd.s32 @!p0 $0x88, s6;
	s7 =	simm.s32 @p2 $0x1082  }
0x22: {  	[simem:s7], [sflag:s8] =	dma.local @!p0 [hbm:s6], $0xF7A  }
0x23: {  	s9 =	sor.u32 $0xD0000000, s2;
	s6 =	simm.s32 $0x108;
	_ =	swait.ge @!p0 [sflag:s8], $0x0  }
0x24: {  	s3 =	sadd.s32 $0x88, s3;
	s6 =	simm.s32 @!p1 $0x1082;
	[sflag:s4] =	ssyncset.s32 $0xFFFFF086  }
0x25: {  	[simem:s6], [sflag:s4] =	dma.local [hbm:s3], $0xF7A  }
0x26: {  	[smem:$0x3F9F] =	sst s1;
	(tag) =	ssettag s2;
	_ =	strace s9  }
0x27: {  	s1 =	sld [smem:$0x3FAF]  }
0x28: {  	s2 =	sld [smem:$0x3FB0]  }
0x29: {  	s4 =	sld [smem:$0x3FB2]  }
0x2a: {  	p0 =	seq.s32 s5, $0x0;
	s5 =	sld [smem:$0x3FB3]  }
0x2b: {  	s6 =	sld [smem:$0x3FB4]  }
0x2c: {  	s7 =	sld [smem:$0x3FB5]  }
0x2d: {  	s3 =	simm.s32 $0x108;
	s8 =	sld [smem:$0x3FB6]  }
0x2e: {  	s3 =	simm.s32 @!p0 $0x1082;
	s9 =	sld [smem:$0x3FB7]  }
0x2f: {  	lr =	sadd.s32 s0, s3;
	s0 =	sld [smem:$0x3FAE]  }
0x30: {  	s3 =	sld [smem:$0x3FB1]  }
0x31: {  	[smem:$0x3FBA] =	sst s10  }
0x32: {  	s10 =	sld [smem:$0x3FB8];
	_ =	sdelay $0x3  }
0x33: {  	p0 =	seq.s32 s10, $0x1;
	s10 =	sld [smem:$0x3FBA];
	_ =	sdelay $0x3  }
0x34: {  	[smem:$0x3FBA] =	sst s10  }
0x35: {  	s10 =	sld [smem:$0x3FB9];
	_ =	sdelay $0x3  }
0x36: {  	p1 =	seq.s32 s10, $0x1;
	s10 =	sld [smem:$0x3FBA];
	_ =	sdelay $0x3  }
0x37: {  	[smem:$0x3FBA] =	sst s10  }
0x38: {  	s10 =	sld [smem:$0x3FBB]  }
0x39: {  	_ = 	snop;
	(pc) =	sbr.ind lr, $3  }
0x3a: {  	_ = 	snop  }
0x3b: {  	_ = 	snop  }
0x3c: {  	p2 =	seq.s32 s10, $0x1;
	s10 =	sld [smem:$0x3FBA]  }
0x3d: {  	_ =	shalt  }
0x3e: {  	_ =	shalt  }
0x3f: {  	_ =	shalt  }
0x40: {  	_ =	shalt  }
0x41: {  	_ =	shalt  }
0x42: {  	_ =	shalt  }
0x43: {  	_ =	shalt  }
0x44: {  	_ =	shalt  }
0x45: {  	_ =	shalt  }
0x46: {  	_ =	shalt  }
0x47: {  	_ =	shalt  }
0x48: {  	_ =	shalt  }
0x49: {  	_ =	shalt  }
0x4a: {  	_ =	shalt  }
0x4b: {  	_ =	shalt  }
0x4c: {  	_ =	shalt  }
0x4d: {  	_ =	shalt  }
0x4e: {  	_ =	shalt  }
0x4f: {  	_ =	shalt  }
0x50: {  	_ =	shalt  }
0x51: {  	_ =	shalt  }
0x52: {  	_ =	shalt  }
0x53: {  	_ =	shalt  }
0x54: {  	_ =	shalt  }
0x55: {  	_ =	shalt  }
0x56: {  	_ =	shalt  }
0x57: {  	_ =	shalt  }
0x58: {  	_ =	shalt  }
0x59: {  	_ =	shalt  }
0x5a: {  	_ =	shalt  }
0x5b: {  	_ =	shalt  }
0x5c: {  	_ =	shalt  }
0x5d: {  	_ =	shalt  }
0x5e: {  	_ =	shalt  }
0x5f: {  	_ =	shalt  }
0x60: {  	_ =	shalt  }
0x61: {  	_ =	shalt  }
0x62: {  	_ =	shalt  }
0x63: {  	_ =	shalt  }
0x64: {  	_ =	shalt  }
0x65: {  	_ =	shalt  }
0x66: {  	_ =	shalt  }
0x67: {  	_ =	shalt  }
0x68: {  	_ =	shalt  }
0x69: {  	_ =	shalt  }
0x6a: {  	_ =	shalt  }
0x6b: {  	_ =	shalt  }
0x6c: {  	_ =	shalt  }
0x6d: {  	_ =	shalt  }
0x6e: {  	_ =	shalt  }
0x6f: {  	_ =	shalt  }
0x70: {  	_ =	shalt  }
0x71: {  	_ =	shalt  }
0x72: {  	_ =	shalt  }
0x73: {  	_ =	shalt  }
0x74: {  	_ =	shalt  }
0x75: {  	_ =	shalt  }
0x76: {  	_ =	shalt  }
0x77: {  	_ =	shalt  }
0x78: {  	_ =	shalt  }
0x79: {  	_ =	shalt  }
0x7a: {  	_ =	shalt  }
0x7b: {  	_ =	shalt  }
0x7c: {  	_ =	shalt  }
0x7d: {  	_ =	shalt  }
0x7e: {  	_ =	shalt  }
0x7f: {  	_ =	shalt  }
0x80: {  	_ =	shalt  }
0x81: {  	_ =	shalt  }
0x82: {  	_ =	shalt  }
0x83: {  	_ =	shalt  }
0x84: {  	_ =	shalt  }
0x85: {  	_ =	shalt  }
0x86: {  	_ =	shalt  }
0x87: {  	_ =	shalt  }
.Lfunc_end0:
.L_simem_size_0:
called_computation.1_lowered:
.L_overlay_start_0:
0x88: {  	s2 =	sld [smem:$0x3FD9]  }
0x89: {  	s3 =	sld [smem:$0x3FFE];
	_ =	sdelay $0x1  }
0x8a: {  	s1 =	srdreg.scid  }
0x8b: {  	s0 =	sand.u32 $0x1, s1  }
0x8c: {  	s17 =	sshll.u32 s0, $0xA;
	s2 =	sadd.s32 s3, s2  }
0x8d: {  	s2 =	sadd.s32 s2, s17  }
0x8e: {  	[smem:$0x3FC6] =	sst s2  }
0x8f: {  	_ = 	snop  }
0x90: {  	s2 =	sld [smem:$0x3FD0];
	(tm) =	ssettm $0x1  }
0x91: {  	s18 =	sld [smem:$0x3FFB];
	_ =	sdelay $0x3  }
0x92: {  	_ =	strace s18  }
0x93: {  	s3 =	sld [smem:$0x3FFC];
	_ =	sdelay $0x3  }
0x94: {  	_ =	strace s3  }
0x95: {  	s3 =	sld [smem:$0x3FFD];
	_ =	sdelay $0x3  }
0x96: {  	_ =	strace s3  }
0x97: {  	_ =	strace $0x8FFFFFFF  }
0x98: {  	s19 =	sld [smem:$0x3FDB];
	_ =	sdelay $0x1  }
0x99: {  	s4 =	simm.s32 $_scs_section_size  }
0x9a: {  	s5 =	simm.s32 $_size__tile_overlayer_lowered;
	s6 =	simm.s32 $_tile_overlayer_lowered  }
0x9b: {  	s22 =	simm.s32 $0x1BFF;
	s21 =	sshll.u32 s6, $0x1;
	s3 =	sadd.s32 s4, s19  }
0x9c: {  	s7 =	simm.s32 $0x0;
	s20 =	sshll.u32 s5, $0x1;
	s5 =	sadd.s32 s21, s3  }
0x9d: {  	[timem:s7], [sflag:s22] =	dma.local [hbm:s5], s20  }
0x9e: {  	_ =	swait.ge [sflag:s22], s20  }
0x9f: {  	s4 =	ssub.s32 $0x0, s20;
	[sflag:s22] =	ssyncset.done $0x0  }
0xa0: {  	[sflag:s22] =	ssyncadd.s32 s4;
	_ =	sdelay $0x1  }
0xa1: {  	s23 =	simm.s32 $0x1B8B  }
0xa2: {  	_ =	swait.ge [sflag:s23], $0x1  }
0xa3: {  	[sflag:s23] =	ssyncset.done $0x0  }
0xa4: {  	s25 =	simm.s32 $0x1B8E;
	s24 =	sld [smem:$0x3FFE];
	[sflag:s23] =	ssyncadd.s32 $0xFFFFFFFF  }
0xa5: {  	s26 =	simm.s32 $execute0_lowered;
	[smem:$0x3FD2] =	sst s25  }
0xa6: {  	s5 =	sshll.u32 s26, $0x1;
	_ =	strace $0x80000046;
	[dreg:$0x1] =	wrdreg $0xFFFFFFFF  }
0xa7: {  	s28 =	simm.s32 $_size_execute0_lowered;
	s3 =	sadd.s32 s3, s5;
	[dreg:$0x0] =	wrdreg $0x0  }
0xa8: {  	s5 =	sshll.u32 s28, $0x1;
	[dreg:$0x2] =	wrdreg s3  }
0xa9: {  	[dreg:$0x3] =	wrdreg s5  }
0xaa: {  	[dreg:$0x4] =	wrdreg $0xC0  }
0xab: {  	_ =	task [dreg:s7], $0x5FFFF  }
0xac: {  	[dreg:$0x1] =	wrdreg $0xFFFFFFFF  }
0xad: {  	[dreg:$0x0] =	wrdreg $0x60  }
0xae: {  	[dreg:$0x2] =	wrdreg s2  }
0xaf: {  	[dreg:$0x3] =	wrdreg s24  }
0xb0: {  	[dreg:$0x4] =	wrdreg $0x9  }
0xb1: {  	_ =	task.clear_ibuf [dreg:s7], $0x5FFFF;
	_ =	strace $0x90000046  }
0xb2: {  	s29 =	simm.s32 $0x9;
	_ =	strace $0x80000048  }
0xb3: {  	_ =	swait.ge [sflag:s29], $0x1  }
0xb4: {  	[sflag:s29] =	ssyncadd.s32 $0xFFFFFFFF  }
0xb5: {  	_ =	strace $0x90000048  }
0xb6: {  	_ =	sfence  }
0xb7: {  	s30 =	sld [smem:$0x0];
	_ =	sdelay $0x2  }
0xb8: {  	s31 =	sshll.u32 s1, $0xD;
	s1 =	sshrl.u32 s1, $0x2  }
0xb9: {  	s3 =	sand.u32 $0x4000, s31;
	s1 =	sadd.s32 s1, s30  }
0xba: {  	s0 =	sor.u32 s3, s0;
	s1 =	sshll.u32 s1, $0x11  }
0xbb: {  	s0 =	sor.u32 s1, s0  }
0xbc: {  	s0 =	sadd.s32 $0x8F2B, s0  }
0xbd: {  	[sflag:s0] =	ssyncadd.remote.s32 $0x1  }
0xbe: {  	_ =	sfence.sel $0xFFFF  }
0xbf: {  	[dreg:$0x0] =	wrdreg $0xFFFFFFFF;
	(pc) =	sbr.abs _section_cstart, $3  }
0xc0: {  	[dreg:$0x1] =	wrdreg $0xFFFFFFFF  }
0xc1: {  	_ =	task.clear_ibuf [dreg:s7], $0x2FFFF;
	_ =	strace $0x9FFFFFFF  }
0xc2: {  	(tm) =	ssettm $0x7FFFFFFF  }
0xc3: {  	_ =	shalt  }
tec
execute0_lowered:
.L_overlay_start_1:
0x0: {  	(tag) =	ssettag $0x1  }
0x1: {  	s7 =	rddreg [dreg:$0x0]  }
0x2: {  	s5 =	rddreg [dreg:$0x1]  }
0x3: {  	s0 =	rddreg [dreg:$0x2];
	s2 =	simm.s32 $0x0  }
0x4: {  	s3 =	srdreg.scid;
	s1 =	stileid.u32;
	s13 =	simm.s32 $0x80  }
0x5: {  	s14 =	simm.s32 $0x6400;
	s15 =	simm.s32 $0xA400;
	s16 =	simm.s32 $0x1  }
0x6: {  	s17 =	simm.s32 $0x100;
	s18 =	simm.s32 $0xE400;
	s19 =	simm.s32 $0x2  }
0x7: {  	s20 =	simm.s32 $0x180;
	s6 =	sand.u32 $0x1, s3;
	s30 =	sshll.u32 s1, $0x1  }
0x8: {  	s21 =	simm.s32 $0x12400;
	s22 =	simm.s32 $0x3;
	s8 =	sor.u32 s6, s30  }
0x9: {  	s23 =	simm.s32 $0x4;
	s24 =	simm.s32 $0x0;
	s4 =	smul.u32 $0x320000, s8  }
0xa: {  	[smem:$0x7FF] =	sst s2;
	s6 =	ssub.s32 $0x2, s6;
	s9 =	smul.u32 $0x64000, s8  }
0xb: {  	s3 =	sadd.s32 $0xF42E00, s5;
	s10 =	sshrl.u32 s6, $0x1;
	s8 =	smul.u32 $0xC80, s8  }
0xc: {  	s5 =	sadd.s32 $0xA00, s5;
	_ =	strace $0x80000047;
	s12 =	ssub.s32 s6, s10  }
0xd: {  	s11 =	sshrl.u32 s4, $0x3;
	s6 =	sadd.s32 s5, s9;
	s7 =	sadd.s32 s7, s8  }
0xe: {  	s31 =	sadd.s32 s5, s11;
	s8 =	sadd.s32 $0x800, s6;
	s11 =	smax.u32 s12, $0x1  }
0xf: {  	s12 =	simm.s32 $0x5;
	s9 =	sadd.s32 $0x63000, s31;
	s10 =	sadd.s32 $0x63800, s31  }
.LBB2_1:
0x10: {  	[tilespmem:s2], [sflag:$0x5] =	stream.linear.gather [hbm4b:s7+s2], $0x6400, $0x38;
	[tilespmem:$0x16400] =	vst v63  }
0x11: {  	_ =	swait.ge [sflag:s12], $0x6400  }
0x12: {  	[sflag:s12] =	ssyncset.done $0x0  }
0x13: {  	[sflag:s12] =	ssyncadd.s32 $0xFFFF9C00  }
0x14: {  	[tilespmem:s14], [sflag:$0x1] =	stream.indirect.gather [hbm4b:s3+s13], $0x80, s2, s13, $0xb8;
	[tilespmem:$0x16400] =	vst v63  }
0x15: {  	_ = 	snop  }
0x16: {  	[tilespmem:s15], [sflag:$0x2] =	stream.indirect.gather [hbm4b:s3+s13], $0x80, s13, s13, $0xb8;
	[tilespmem:$0x16400] =	vst v63  }
0x17: {  	_ =	swait.ge [sflag:s16], $0x4000  }
0x18: {  	[sflag:s16] =	ssyncset.done $0x0  }
0x19: {  	s25 =	simm.s32 $0x0;
	[sflag:s16] =	ssyncadd.s32 $0xFFFFC000  }
0x1a: {  	v1 =	vld [tilespmem:s25+$0x6430]  }
0x1b: {  	v2 =	vld [tilespmem:s25+$0x6400]  }
0x1c: {  	v3 =	vld [tilespmem:s25+$0x6410]  }
0x1d: {  	v0 =	vld [tilespmem:s25+$0x6420]  }
0x1e: {  	s26 =	simm.s32 $0x200  }
.LBB2_2:
0x1f: {  	s28 =	sshra.s32 s26, $0x2;
	p0 =	sne.s32 s26, $0xFE00;
	s26 =	sadd.s32 $0x200, s26;
	v4 =	vmul.f32 $8.000000000e+00, v1  }
.Ltmp0:
0x20: {  	v1 =	vld [tilespmem:s28+$0x6430];
	v5 =	vmul.f32 $8.000000000e+00, v2;
	(pc) =	sbr.rel @p0 .LBB2_2-.Ltmp0, $4  }
0x21: {  	v2 =	vld [tilespmem:s28+$0x6400];
	v6 =	vmul.f32 $8.000000000e+00, v3;
	[tilespmem:s25+$0xE430] =	vst v4  }
0x22: {  	v3 =	vld [tilespmem:s28+$0x6410];
	[tilespmem:s25+$0xE400] =	vst v5;
	v4 =	vmul.f32 $8.000000000e+00, v0  }
0x23: {  	v0 =	vld [tilespmem:s28+$0x6420];
	[tilespmem:s25+$0xE410] =	vst v6  }
0x24: {  	[tilespmem:s25+$0xE420] =	vst v4;
	s25 =	smov.u32 s28  }
0x25: {  	v1 =	vmul.f32 $8.000000000e+00, v1  }
0x26: {  	v2 =	vmul.f32 $8.000000000e+00, v2  }
0x27: {  	v3 =	vmul.f32 $8.000000000e+00, v3;
	[tilespmem:s25+$0xE430] =	vst v1  }
0x28: {  	[tilespmem:s25+$0xE400] =	vst v2;
	v0 =	vmul.f32 $8.000000000e+00, v0  }
0x29: {  	[tilespmem:s25+$0xE410] =	vst v3  }
0x2a: {  	[tilespmem:s25+$0xE420] =	vst v0  }
0x2b: {  	[tilespmem:s14], [sflag:$0x1] =	stream.indirect.gather [hbm4b:s3+s13], $0x80, s17, s13, $0xb8;
	[tilespmem:$0x16400] =	vst v63  }
0x2c: {  	s31 =	simm.s32 $0x0  }
0x2d: {  	[hbm4b:s6+s31] =	stream.linear.scatter [tilespmem:s18], [sflag:$0x3], $0x4000, $0x38;
	[tilespmem:$0x16400] =	vst v63  }
0x2e: {  	_ =	swait.ge [sflag:s19], $0x4000  }
0x2f: {  	[sflag:s19] =	ssyncset.done $0x0  }
0x30: {  	s25 =	simm.s32 $0x0;
	[sflag:s19] =	ssyncadd.s32 $0xFFFFC000  }
0x31: {  	v1 =	vld [tilespmem:s25+$0xA430]  }
0x32: {  	v2 =	vld [tilespmem:s25+$0xA400]  }
0x33: {  	v3 =	vld [tilespmem:s25+$0xA410]  }
0x34: {  	v0 =	vld [tilespmem:s25+$0xA420]  }
0x35: {  	s26 =	simm.s32 $0x200  }
.LBB2_4:
0x36: {  	s28 =	sshra.s32 s26, $0x2;
	p0 =	sne.s32 s26, $0xFE00;
	s26 =	sadd.s32 $0x200, s26;
	v4 =	vmul.f32 $8.000000000e+00, v1  }
.Ltmp1:
0x37: {  	v1 =	vld [tilespmem:s28+$0xA430];
	v5 =	vmul.f32 $8.000000000e+00, v2;
	(pc) =	sbr.rel @p0 .LBB2_4-.Ltmp1, $4  }
0x38: {  	v2 =	vld [tilespmem:s28+$0xA400];
	v6 =	vmul.f32 $8.000000000e+00, v3;
	[tilespmem:s25+$0x12430] =	vst v4  }
0x39: {  	v3 =	vld [tilespmem:s28+$0xA410];
	[tilespmem:s25+$0x12400] =	vst v5;
	v4 =	vmul.f32 $8.000000000e+00, v0  }
0x3a: {  	v0 =	vld [tilespmem:s28+$0xA420];
	[tilespmem:s25+$0x12410] =	vst v6  }
0x3b: {  	[tilespmem:s25+$0x12420] =	vst v4;
	s25 =	smov.u32 s28  }
0x3c: {  	v1 =	vmul.f32 $8.000000000e+00, v1  }
0x3d: {  	v2 =	vmul.f32 $8.000000000e+00, v2  }
0x3e: {  	v3 =	vmul.f32 $8.000000000e+00, v3;
	[tilespmem:s25+$0x12430] =	vst v1  }
0x3f: {  	[tilespmem:s25+$0x12400] =	vst v2;
	v0 =	vmul.f32 $8.000000000e+00, v0  }
0x40: {  	[tilespmem:s25+$0x12410] =	vst v3  }
0x41: {  	[tilespmem:s25+$0x12420] =	vst v0  }
0x42: {  	[tilespmem:s15], [sflag:$0x2] =	stream.indirect.gather [hbm4b:s3+s13], $0x80, s20, s13, $0xb8;
	[tilespmem:$0x16400] =	vst v63  }
0x43: {  	s25 =	simm.s32 $0x0  }
0x44: {  	[hbm4b:s8+s25] =	stream.linear.scatter [tilespmem:s21], [sflag:$0x4], $0x4000, $0x38;
	[tilespmem:$0x16400] =	vst v63  }
.LBB2_6:
0x45: {  	_ =	swait.ge [sflag:s16], $0x4000  }
0x46: {  	[sflag:s16] =	ssyncset.done $0x0  }
0x47: {  	[sflag:s16] =	ssyncadd.s32 $0xFFFFC000  }
0x48: {  	_ =	swait.ge [sflag:s22], $0x4000  }
0x49: {  	[sflag:s22] =	ssyncset.done $0x0  }
0x4a: {  	s28 =	simm.s32 $0x0;
	[sflag:s22] =	ssyncadd.s32 $0xFFFFC000  }
0x4b: {  	v1 =	vld [tilespmem:s28+$0x6430]  }
0x4c: {  	v2 =	vld [tilespmem:s28+$0x6400]  }
0x4d: {  	v3 =	vld [tilespmem:s28+$0x6410]  }
0x4e: {  	v0 =	vld [tilespmem:s28+$0x6420]  }
0x4f: {  	s26 =	simm.s32 $0x200  }
.LBB2_7:
0x50: {  	s29 =	sshra.s32 s26, $0x2;
	p0 =	sne.s32 s26, $0xFE00;
	s26 =	sadd.s32 $0x200, s26;
	v4 =	vmul.f32 $8.000000000e+00, v1  }
.Ltmp2:
0x51: {  	v1 =	vld [tilespmem:s29+$0x6430];
	v5 =	vmul.f32 $8.000000000e+00, v2;
	(pc) =	sbr.rel @p0 .LBB2_7-.Ltmp2, $4  }
0x52: {  	v2 =	vld [tilespmem:s29+$0x6400];
	v6 =	vmul.f32 $8.000000000e+00, v3;
	[tilespmem:s28+$0xE430] =	vst v4  }
0x53: {  	v3 =	vld [tilespmem:s29+$0x6410];
	[tilespmem:s28+$0xE400] =	vst v5;
	v4 =	vmul.f32 $8.000000000e+00, v0  }
0x54: {  	v0 =	vld [tilespmem:s29+$0x6420];
	[tilespmem:s28+$0xE410] =	vst v6  }
0x55: {  	[tilespmem:s28+$0xE420] =	vst v4;
	s28 =	smov.u32 s29  }
0x56: {  	v1 =	vmul.f32 $8.000000000e+00, v1  }
0x57: {  	v2 =	vmul.f32 $8.000000000e+00, v2  }
0x58: {  	s25 =	sadd.s32 $0x1, s25;
	v3 =	vmul.f32 $8.000000000e+00, v3;
	[tilespmem:s28+$0xE430] =	vst v1  }
0x59: {  	s26 =	sshll.u32 s25, $0x8;
	[tilespmem:s28+$0xE400] =	vst v2;
	v0 =	vmul.f32 $8.000000000e+00, v0  }
0x5a: {  	s26 =	sand.u32 $0x3FFFFF00, s26;
	[tilespmem:s28+$0xE410] =	vst v3  }
0x5b: {  	[tilespmem:s28+$0xE420] =	vst v0;
	s28 =	sadd.s32 $0x100, s26  }
0x5c: {  	[tilespmem:s14], [sflag:$0x1] =	stream.indirect.gather [hbm4b:s3+s13], $0x80, s28, s13, $0xb8;
	[tilespmem:$0x16400] =	vst v63  }
0x5d: {  	s28 =	sshll.u32 s25, $0xF  }
0x5e: {  	s28 =	sadd.s32 s4, s28  }
0x5f: {  	s28 =	sshrl.u32 s28, $0x3  }
0x60: {  	s29 =	simm.s32 $0x0;
	s28 =	sadd.s32 s5, s28  }
0x61: {  	[hbm4b:s28+s29] =	stream.linear.scatter [tilespmem:s18], [sflag:$0x3], $0x4000, $0x38;
	[tilespmem:$0x16400] =	vst v63  }
0x62: {  	_ =	swait.ge [sflag:s19], $0x4000  }
0x63: {  	[sflag:s19] =	ssyncset.done $0x0  }
0x64: {  	[sflag:s19] =	ssyncadd.s32 $0xFFFFC000  }
0x65: {  	_ =	swait.ge [sflag:s23], $0x4000  }
0x66: {  	[sflag:s23] =	ssyncset.done $0x0  }
0x67: {  	s28 =	simm.s32 $0x0;
	[sflag:s23] =	ssyncadd.s32 $0xFFFFC000  }
0x68: {  	v1 =	vld [tilespmem:s28+$0xA430]  }
0x69: {  	v2 =	vld [tilespmem:s28+$0xA400]  }
0x6a: {  	v3 =	vld [tilespmem:s28+$0xA410]  }
0x6b: {  	v0 =	vld [tilespmem:s28+$0xA420]  }
0x6c: {  	s29 =	simm.s32 $0x200  }
.LBB2_9:
0x6d: {  	s30 =	sshra.s32 s29, $0x2;
	p0 =	sne.s32 s29, $0xFE00;
	s29 =	sadd.s32 $0x200, s29;
	v4 =	vmul.f32 $8.000000000e+00, v1  }
.Ltmp3:
0x6e: {  	v1 =	vld [tilespmem:s30+$0xA430];
	v5 =	vmul.f32 $8.000000000e+00, v2;
	(pc) =	sbr.rel @p0 .LBB2_9-.Ltmp3, $4  }
0x6f: {  	v2 =	vld [tilespmem:s30+$0xA400];
	v6 =	vmul.f32 $8.000000000e+00, v3;
	[tilespmem:s28+$0x12430] =	vst v4  }
0x70: {  	v3 =	vld [tilespmem:s30+$0xA410];
	[tilespmem:s28+$0x12400] =	vst v5;
	v4 =	vmul.f32 $8.000000000e+00, v0  }
0x71: {  	v0 =	vld [tilespmem:s30+$0xA420];
	[tilespmem:s28+$0x12410] =	vst v6  }
0x72: {  	[tilespmem:s28+$0x12420] =	vst v4;
	s28 =	smov.u32 s30  }
0x73: {  	v1 =	vmul.f32 $8.000000000e+00, v1  }
0x74: {  	v2 =	vmul.f32 $8.000000000e+00, v2  }
0x75: {  	v3 =	vmul.f32 $8.000000000e+00, v3;
	[tilespmem:s28+$0x12430] =	vst v1  }
0x76: {  	p0 =	sne.s32 s25, $0x62;
	[tilespmem:s28+$0x12400] =	vst v2;
	v0 =	vmul.f32 $8.000000000e+00, v0  }
.Ltmp4:
0x77: {  	[tilespmem:s28+$0x12410] =	vst v3;
	(pc) =	sbr.rel @p0 .LBB2_6-.Ltmp4, $4  }
0x78: {  	s26 =	sadd.s32 $0x180, s26;
	s31 =	sshll.u32 s25, $0xC;
	[tilespmem:s28+$0x12420] =	vst v0  }
0x79: {  	[tilespmem:s15], [sflag:$0x2] =	stream.indirect.gather [hbm4b:s3+s13], $0x80, s26, s13, $0xb8;
	[tilespmem:$0x16400] =	vst v63  }
0x7a: {  	s26 =	sadd.s32 s8, s31  }
0x7b: {  	[hbm4b:s26+s2] =	stream.linear.scatter [tilespmem:s21], [sflag:$0x4], $0x4000, $0x38;
	[tilespmem:$0x16400] =	vst v63  }
0x7c: {  	_ =	swait.ge [sflag:s16], $0x4000  }
0x7d: {  	[sflag:s16] =	ssyncset.done $0x0  }
0x7e: {  	[sflag:s16] =	ssyncadd.s32 $0xFFFFC000  }
0x7f: {  	_ =	swait.ge [sflag:s22], $0x4000  }
0x80: {  	[sflag:s22] =	ssyncset.done $0x0  }
0x81: {  	s25 =	simm.s32 $0x0;
	[sflag:s22] =	ssyncadd.s32 $0xFFFFC000  }
0x82: {  	v1 =	vld [tilespmem:s25+$0x6430]  }
0x83: {  	v2 =	vld [tilespmem:s25+$0x6400]  }
0x84: {  	v3 =	vld [tilespmem:s25+$0x6410]  }
0x85: {  	v0 =	vld [tilespmem:s25+$0x6420]  }
0x86: {  	s26 =	simm.s32 $0x200  }
.LBB2_12:
0x87: {  	s28 =	sshra.s32 s26, $0x2;
	p0 =	sne.s32 s26, $0xFE00;
	s26 =	sadd.s32 $0x200, s26;
	v4 =	vmul.f32 $8.000000000e+00, v1  }
.Ltmp5:
0x88: {  	v1 =	vld [tilespmem:s28+$0x6430];
	v5 =	vmul.f32 $8.000000000e+00, v2;
	(pc) =	sbr.rel @p0 .LBB2_12-.Ltmp5, $4  }
0x89: {  	v2 =	vld [tilespmem:s28+$0x6400];
	v6 =	vmul.f32 $8.000000000e+00, v3;
	[tilespmem:s25+$0xE430] =	vst v4  }
0x8a: {  	v3 =	vld [tilespmem:s28+$0x6410];
	[tilespmem:s25+$0xE400] =	vst v5;
	v4 =	vmul.f32 $8.000000000e+00, v0  }
0x8b: {  	v0 =	vld [tilespmem:s28+$0x6420];
	[tilespmem:s25+$0xE410] =	vst v6  }
0x8c: {  	[tilespmem:s25+$0xE420] =	vst v4;
	s25 =	smov.u32 s28  }
0x8d: {  	v1 =	vmul.f32 $8.000000000e+00, v1  }
0x8e: {  	v2 =	vmul.f32 $8.000000000e+00, v2  }
0x8f: {  	v3 =	vmul.f32 $8.000000000e+00, v3;
	[tilespmem:s25+$0xE430] =	vst v1  }
0x90: {  	[tilespmem:s25+$0xE400] =	vst v2;
	v0 =	vmul.f32 $8.000000000e+00, v0  }
0x91: {  	[tilespmem:s25+$0xE410] =	vst v3  }
0x92: {  	s31 =	simm.s32 $0x0;
	[tilespmem:s25+$0xE420] =	vst v0  }
0x93: {  	[hbm4b:s9+s31] =	stream.linear.scatter [tilespmem:s18], [sflag:$0x3], $0x4000, $0x38;
	[tilespmem:$0x16400] =	vst v63  }
0x94: {  	_ =	swait.ge [sflag:s19], $0x4000  }
0x95: {  	[sflag:s19] =	ssyncset.done $0x0  }
0x96: {  	[sflag:s19] =	ssyncadd.s32 $0xFFFFC000  }
0x97: {  	_ =	swait.ge [sflag:s23], $0x4000  }
0x98: {  	[sflag:s23] =	ssyncset.done $0x0  }
0x99: {  	s25 =	simm.s32 $0x0;
	[sflag:s23] =	ssyncadd.s32 $0xFFFFC000  }
0x9a: {  	v1 =	vld [tilespmem:s25+$0xA430]  }
0x9b: {  	v2 =	vld [tilespmem:s25+$0xA400]  }
0x9c: {  	v3 =	vld [tilespmem:s25+$0xA410]  }
0x9d: {  	v0 =	vld [tilespmem:s25+$0xA420]  }
0x9e: {  	s26 =	simm.s32 $0x200  }
.LBB2_14:
0x9f: {  	s28 =	sshra.s32 s26, $0x2;
	p0 =	sne.s32 s26, $0xFE00;
	s26 =	sadd.s32 $0x200, s26;
	v4 =	vmul.f32 $8.000000000e+00, v1  }
.Ltmp6:
0xa0: {  	v1 =	vld [tilespmem:s28+$0xA430];
	v5 =	vmul.f32 $8.000000000e+00, v2;
	(pc) =	sbr.rel @p0 .LBB2_14-.Ltmp6, $4  }
0xa1: {  	v2 =	vld [tilespmem:s28+$0xA400];
	v6 =	vmul.f32 $8.000000000e+00, v3;
	[tilespmem:s25+$0x12430] =	vst v4  }
0xa2: {  	v3 =	vld [tilespmem:s28+$0xA410];
	[tilespmem:s25+$0x12400] =	vst v5;
	v4 =	vmul.f32 $8.000000000e+00, v0  }
0xa3: {  	v0 =	vld [tilespmem:s28+$0xA420];
	[tilespmem:s25+$0x12410] =	vst v6  }
0xa4: {  	[tilespmem:s25+$0x12420] =	vst v4;
	s25 =	smov.u32 s28  }
0xa5: {  	v1 =	vmul.f32 $8.000000000e+00, v1  }
0xa6: {  	v2 =	vmul.f32 $8.000000000e+00, v2  }
0xa7: {  	v3 =	vmul.f32 $8.000000000e+00, v3;
	[tilespmem:s25+$0x12430] =	vst v1  }
0xa8: {  	[tilespmem:s25+$0x12400] =	vst v2;
	v0 =	vmul.f32 $8.000000000e+00, v0  }
0xa9: {  	[tilespmem:s25+$0x12410] =	vst v3  }
0xaa: {  	s24 =	sadd.s32 $0x1, s24;
	[tilespmem:s25+$0x12420] =	vst v0  }
0xab: {  	[hbm4b:s10+s2] =	stream.linear.scatter [tilespmem:s21], [sflag:$0x4], $0x4000, $0x38;
	[tilespmem:$0x16400] =	vst v63  }
0xac: {  	p0 =	sne.s32 s24, s11;
	_ =	swait.ge [sflag:s22], $0x4000  }
.Ltmp7:
0xad: {  	[sflag:s22] =	ssyncset.done $0x0;
	(pc) =	sbr.rel @p0 .LBB2_1-.Ltmp7, $4  }
0xae: {  	[sflag:s22] =	ssyncadd.s32 $0xFFFFC000  }
0xaf: {  	_ =	swait.ge [sflag:s23], $0x4000  }
0xb0: {  	[sflag:s23] =	ssyncset.done $0x0  }
0xb1: {  	[sflag:s23] =	ssyncadd.s32 $0xFFFFC000  }
0xb2: {  	_ =	sfence.sel $0x180000  }
0xb3: {  	[bflag:$0x0] =	sbarrier.arrive $0xFFFF  }
0xb4: {  	p0 =	sne.s32 s1, $0x0;
	_ =	strace $0x90000047  }
0xb5: {  	s0 =	sadd.s32 @!p0 $0x100000, s0;
	[bflag:$0x2] =	sbarrier.arrive $0xFFFF  }
0xb6: {  	[sflag:s0] =	ssyncadd.tile.s32 @!p0 $0x1;
	_ =	shalt  }
.Lfunc_end2:
_tile_overlayer_lowered:
.L_overlay_start_2:
0xb7: {  	(tag) =	ssettag $0x2  }
0xb8: {  	s0 =	rddreg [dreg:$0x0];
	s2 =	stileid.u32  }
0xb9: {  	s1 =	rddreg [dreg:$0x1];
	p0 =	sne.s32 s2, $0x0  }
0xba: {  	s3 =	rddreg [dreg:$0x2];
	[bflag:$0x3] =	sbarrier.arrive $0xFFFF;
	s2 =	simm.s32 @!p0 $0x1C05  }
0xbb: {  	[timem:s3], [sflag:s2] =	dma.local @!p0 [hbm:s0], s1  }
0xbc: {  	s0 =	simm.s32 @!p0 $0x5  }
0xbd: {  	_ =	swait.ge @!p0 [sflag:s0], s1  }
0xbe: {  	s1 =	ssub.s32 @!p0 $0x0, s1;
	[sflag:s0] =	ssyncset.done @!p0 $0x0  }
0xbf: {  	[sflag:s0] =	ssyncadd.s32 @!p0 s1  }
0xc0: {  	[bflag:$0x3] =	sbarrier.arrive $0xFFFF  }
0xc1: {  	_ =	shalt  }

// kernel: sparse-core-data-format-call.cloned.1.call-start
scs
called_computation_lowered:
.L_overlay_start_0:
0x0: {  	s2 =	sld [smem:$0x3FD9]  }
0x1: {  	s3 =	sld [smem:$0x3FFE];
	_ =	sdelay $0x1  }
0x2: {  	s1 =	srdreg.scid  }
0x3: {  	s0 =	sand.u32 $0x1, s1  }
0x4: {  	s18 =	sshll.u32 s0, $0xA;
	s2 =	sadd.s32 s3, s2  }
0x5: {  	s2 =	sadd.s32 s2, s18  }
0x6: {  	[smem:$0x3FC6] =	sst s2  }
0x7: {  	_ = 	snop  }
0x8: {  	s2 =	sld [smem:$0x3FD0];
	(tm) =	ssettm $0x1  }
0x9: {  	s19 =	sld [smem:$0x3FFB];
	_ =	sdelay $0x3  }
0xa: {  	_ =	strace s19  }
0xb: {  	s3 =	sld [smem:$0x3FFC];
	_ =	sdelay $0x3  }
0xc: {  	_ =	strace s3  }
0xd: {  	s3 =	sld [smem:$0x3FFD];
	_ =	sdelay $0x3  }
0xe: {  	_ =	strace s3  }
0xf: {  	_ =	strace $0x8FFFFFFF  }
0x10: {  	s20 =	sld [smem:$0x3FDB];
	_ =	sdelay $0x1  }
0x11: {  	s4 =	simm.s32 $_scs_section_size  }
0x12: {  	s5 =	simm.s32 $_size__tile_overlayer_lowered;
	s6 =	simm.s32 $_tile_overlayer_lowered  }
0x13: {  	s23 =	simm.s32 $0x1BFF;
	s22 =	sshll.u32 s6, $0x1;
	s3 =	sadd.s32 s4, s20  }
0x14: {  	s7 =	simm.s32 $0x0;
	s21 =	sshll.u32 s5, $0x1;
	s5 =	sadd.s32 s22, s3  }
0x15: {  	[timem:s7], [sflag:s23] =	dma.local [hbm:s5], s21  }
0x16: {  	_ =	swait.ge [sflag:s23], s21  }
0x17: {  	s4 =	ssub.s32 $0x0, s21;
	[sflag:s23] =	ssyncset.done $0x0  }
0x18: {  	[sflag:s23] =	ssyncadd.s32 s4;
	_ =	sdelay $0x1  }
0x19: {  	s24 =	simm.s32 $0x1B8B  }
0x1a: {  	_ =	swait.ge [sflag:s24], $0x1  }
0x1b: {  	[sflag:s24] =	ssyncset.done $0x0  }
0x1c: {  	s26 =	simm.s32 $0x1B8E;
	s25 =	sld [smem:$0x3FFE];
	[sflag:s24] =	ssyncadd.s32 $0xFFFFFFFF  }
0x1d: {  	s27 =	simm.s32 $execute0_lowered;
	[smem:$0x3FD2] =	sst s26  }
0x1e: {  	s5 =	sshll.u32 s27, $0x1;
	_ =	strace $0x80000049;
	[dreg:$0x1] =	wrdreg $0xFFFFFFFF  }
0x1f: {  	s28 =	simm.s32 $_size_execute0_lowered;
	s3 =	sadd.s32 s3, s5;
	[dreg:$0x0] =	wrdreg $0x0  }
0x20: {  	s5 =	sshll.u32 s28, $0x1;
	[dreg:$0x2] =	wrdreg s3  }
0x21: {  	[dreg:$0x3] =	wrdreg s5  }
0x22: {  	[dreg:$0x4] =	wrdreg $0xC0  }
0x23: {  	_ =	task [dreg:s7], $0x5FFFF  }
0x24: {  	[dreg:$0x1] =	wrdreg $0xFFFFFFFF  }
0x25: {  	[dreg:$0x0] =	wrdreg $0x60  }
0x26: {  	[dreg:$0x2] =	wrdreg s25  }
0x27: {  	[dreg:$0x3] =	wrdreg s2  }
0x28: {  	[dreg:$0x4] =	wrdreg $0x9  }
0x29: {  	_ =	task.clear_ibuf [dreg:s7], $0x5FFFF;
	_ =	strace $0x90000049  }
0x2a: {  	s29 =	simm.s32 $0x9;
	_ =	strace $0x8000004B  }
0x2b: {  	_ =	swait.ge [sflag:s29], $0x1  }
0x2c: {  	[sflag:s29] =	ssyncadd.s32 $0xFFFFFFFF  }
0x2d: {  	_ =	strace $0x9000004B  }
0x2e: {  	_ =	sfence  }
0x2f: {  	s30 =	sld [smem:$0x0];
	_ =	sdelay $0x2  }
0x30: {  	s31 =	sshll.u32 s1, $0xD;
	s1 =	sshrl.u32 s1, $0x2  }
0x31: {  	s3 =	sand.u32 $0x4000, s31;
	s1 =	sadd.s32 s1, s30  }
0x32: {  	s0 =	sor.u32 s3, s0;
	s1 =	sshll.u32 s1, $0x11  }
0x33: {  	s0 =	sor.u32 s1, s0  }
0x34: {  	s0 =	sadd.s32 $0x8F2B, s0  }
0x35: {  	[sflag:s0] =	ssyncadd.remote.s32 $0x1  }
0x36: {  	_ =	sfence.sel $0xFFFF  }
0x37: {  	[dreg:$0x0] =	wrdreg $0xFFFFFFFF;
	(pc) =	sbr.abs _section_cstart, $3  }
0x38: {  	[dreg:$0x1] =	wrdreg $0xFFFFFFFF  }
0x39: {  	_ =	task.clear_ibuf [dreg:s7], $0x2FFFF;
	_ =	strace $0x9FFFFFFF  }
0x3a: {  	(tm) =	ssettm $0x7FFFFFFF  }
0x3b: {  	_ =	shalt  }
tec
execute0_lowered:
.L_overlay_start_1:
0x0: {  	(tag) =	ssettag $0x1  }
0x1: {  	s0 =	srdreg.scid  }
0x2: {  	s1 =	sshll.u32 s0, $0x4  }
0x3: {  	s0 =	stileid.u32;
	s1 =	sand.u32 $0x10, s1  }
0x4: {  	s1 =	sor.u32 s0, s1  }
0x5: {  	s6 =	rddreg [dreg:$0x0];
	s4 =	simm.s32 $0x1;
	s2 =	sshll.u32 s1, $0x7  }
0x6: {  	s7 =	simm.s32 $0x2;
	s12 =	simm.s32 $0x0;
	s1 =	ssub.s32 $0x1000, s2  }
0x7: {  	s8 =	simm.s32 $0x8000;
	s13 =	simm.s32 $0x0;
	s3 =	sand.u32 $0xF80, s1  }
0x8: {  	s9 =	simm.s32 $0x0;
	s5 =	sshrl.u32 s1, $0xC;
	p0 =	sne.s32 s3, $0x0  }
.Ltmp0:
0x9: {  	s1 =	rddreg [dreg:$0x2];
	s4 =	simm.s32 @!p0 $0x0;
	(pc) =	sbr.rel .LBB1_1-.Ltmp0, $4  }
0xa: {  	s11 =	simm.s32 $0x0;
	s3 =	rddreg [dreg:$0x1];
	s5 =	sadd.s32 s4, s5  }
0xb: {  	_ =	strace $0x8000004A;
	s4 =	simm.s32 $0x1;
	s5 =	smul.u32 $0xC8, s5  }
0xc: {  	s6 =	sadd.s32 $0xA00, s6;
	s10 =	smov.u32 s2;
	[sflag:s4] =	ssyncpa.u1 $0x0  }
0xd: {  	p0 =	por $0x0, $0x0;
	[sflag:s7] =	ssyncpa.u1 $0x0;
	s7 =	sor.u32 $0x1, s5  }
.LBB1_4:
0xe: {  	s16 =	sshll.u32 s13, $0x3;
	s17 =	sand.u32 $0x78, s13  }
0xf: {  	s30 =	sand.u32 $0x7E00, s13;
	s12 =	sshll.u32 s12, $0xF;
	s16 =	sand.u32 $0xC00, s16  }
0x10: {  	[tilespmem:s15+$0x810 ss:$0x81] =	vst.msk $0xffff, v2;
	s31 =	sand.u32 $0x7, s13;
	s16 =	sor.u32 s17, s16;
	s17 =	sadd.s32 s3, s30  }
0x11: {  	[tilespmem:s15+$0x1020 ss:$0x81] =	vst.msk $0xffff, v0;
	s13 =	sshll.u32 s31, $0x12;
	s12 =	sadd.s32 s12, s17;
	s16 =	sshrl.u32 s16, $0x3  }
0x12: {  	[tilespmem:s15+$0x0 ss:$0x81] =	vst.msk $0xffff, v1;
	s13 =	sor.u32 $0x400, s13;
	s12 =	sadd.s32 s16, s12  }
0x13: {  	[hbm4b:s12+s13] =	stream.strided.scatter [tilespmem:s14], [sflag:$0x2], $0x2000, s8, s13, $0x20;
	[tilespmem:$0x8080] =	vst v63  }
.LBB1_5:
0x14: {  	s14 =	sadd.s32 $0x1, s9  }
0x15: {  	s12 =	sadd.s32 $0x1000, s10;
	s16 =	smov.u32 s10;
	p2 =	sgt.s32 s14, $0xC7  }
0x16: {  	s16 =	smov.u32 @p2 s12  }
0x17: {  	s14 =	simm.s32 @p2 $0x0;
	p2 =	sgt.s32 s16, $0xFFF  }
0x18: {  	s16 =	smov.u32 @p2 s2;
	p2 =	sne.s32 s11, s7  }
.Ltmp1:
0x19: {  	p1 =	slt.u32 s11, $0x2;
	(pc) =	sbr.rel @!p2 .LBB1_6-.Ltmp1, $4  }
0x1a: {  	s15 =	simm.s32 @!p1 $0x2  }
0x1b: {  	s13 =	smov.u32 s10;
	p0 =	por !p0, !p0;
	_ =	swait.ge @!p1 [sflag:s15], $0x2000  }
0x1c: {  	s12 =	smov.u32 s9;
	[sflag:s15] =	ssyncset.done @!p1 $0x0;
	s9 =	smov.u32 s14  }
0x1d: {  	s11 =	sadd.s32 $0x1, s11;
	[sflag:s15] =	ssyncadd.s32 @!p1 $0xFFFFE000;
	s10 =	smov.u32 s16  }
.LBB1_1:
0x1e: {  	p1 =	sge.u32 s11, s5  }
0x1f: {  	s14 =	sand.u32 @!p1 $0x1FFFFFF, s9  }
0x20: {  	s15 =	smulhi.u32 @!p1 $0x147AE15, s14;
	_ =	sdelay $0x1  }
0x21: {  	s15 =	smul.u32 @!p1 $0xC8, s15  }
0x22: {  	s16 =	sxor.u32 @!p1 $0xFFFFFFFF, s11;
	s17 =	smul.u32 @!p1 $0xC80, s10  }
0x23: {  	s31 =	sadd.s32 $0xFFFFFFFF, s11;
	s16 =	sshll.u32 @!p1 s16, $0xD;
	s14 =	ssub.s32 @!p1 s14, s15  }
0x24: {  	s15 =	sand.u32 @!p1 $0x2000, s16;
	s16 =	sadd.s32 @!p1 s6, s17;
	s14 =	sshll.u32 @!p1 s14, $0x4  }
0x25: {  	s17 =	simm.s32 @!p1 $0x6400;
	s14 =	sadd.s32 @!p1 s14, s16;
	s16 =	simm.s32 @!p1 $0x40  }
0x26: {  	[tilespmem:s15], [sflag:$0x1] =	stream.strided.gather @!p1 [hbm4b:s14+s16], $0x2000, s17, s16, $0x38;
	[tilespmem:$0x8080] =	vst v63  }
0x27: {  	p1 =	sge.u32 s31, s5  }
.Ltmp2:
0x28: {  	_ = 	snop;
	(pc) =	sbr.rel @p1 .LBB1_5-.Ltmp2, $1  }
0x29: {  	_ =	sdelay $0x3  }
0x2a: {  	s14 =	simm.s32 $0x1  }
0x2b: {  	_ =	swait.ge [sflag:s4], $0x2000;
	s14 =	simm.s32 @!p0 $0x0  }
0x2c: {  	[sflag:s4] =	ssyncset.done $0x0;
	s15 =	sshll.u32 s14, $0xD  }
0x2d: {  	[sflag:s4] =	ssyncadd.s32 $0xFFFFE000;
	s18 =	sor.u32 $0x20, s15  }
0x2e: {  	s14 =	smul.u32 $0x8100, s14;
	v3 =	vld [tilespmem:s18+$0x10]  }
0x2f: {  	s30 =	sand.u32 $0x1, s11;
	v2 =	vld [tilespmem:s18+$0xFFFFFFF0]  }
0x30: {  	s15 =	smul.u32 $0x8100, s30;
	s14 =	sshrl.u32 s14, $0x2;
	v0 =	vld [tilespmem:s18+$0x0]  }
0x31: {  	v1 =	vld [tilespmem:s18+$0xFFFFFFE0];
	s16 =	sor.u32 $0x4000, s14  }
0x32: {  	s31 =	sshrl.u32 s15, $0x2;
	s15 =	sadd.s32 $0x0, s16  }
0x33: {  	s17 =	simm.s32 $0x4;
	s18 =	sadd.s32 $0x40, s18;
	s14 =	sor.u32 $0x4000, s31;
	[tilespmem:s15+$0x1830 ss:$0x81] =	vst.msk $0xffff, v3  }
.LBB1_3:
0x34: {  	v3 =	vld [tilespmem:s18+$0x10];
	p1 =	sne.s32 s17, $0x1FC;
	[tilespmem:s15+$0x810 ss:$0x81] =	vst.msk $0xffff, v2;
	s19 =	smov.u32 s17;
	s17 =	sadd.s32 $0x4, s17  }
.Ltmp3:
0x35: {  	v2 =	vld [tilespmem:s18+$0xFFFFFFF0];
	[tilespmem:s15+$0x1020 ss:$0x81] =	vst.msk $0xffff, v0;
	(pc) =	sbr.rel @p1 .LBB1_3-.Ltmp3, $4  }
0x36: {  	v0 =	vld [tilespmem:s18+$0x0];
	[tilespmem:s15+$0x0 ss:$0x81] =	vst.msk $0xffff, v1  }
0x37: {  	s15 =	sshra.s32 s19, $0x2;
	v1 =	vld [tilespmem:s18+$0xFFFFFFE0]  }
0x38: {  	s15 =	sadd.s32 s15, s16  }
0x39: {  	s18 =	sadd.s32 $0x40, s18;
	[tilespmem:s15+$0x1830 ss:$0x81] =	vst.msk $0xffff, v3  }
.Ltmp4:
0x3a: {  	_ = 	snop;
	(pc) =	sbr.rel .LBB1_4-.Ltmp4, $1  }
0x3b: {  	_ =	sdelay $0x3  }
.LBB1_6:
0x3c: {  	_ =	sfence.sel $0x180000  }
0x3d: {  	s2 =	simm.s32 $0x1;
	[bflag:$0x0] =	sbarrier.arrive $0xFFFF  }
0x3e: {  	s31 =	simm.s32 $0x2;
	[sflag:s2] =	ssyncpa.u1 $0x1  }
0x3f: {  	[sflag:s31] =	ssyncpa.u1 $0x1  }
0x40: {  	p0 =	sne.s32 s0, $0x0;
	_ =	strace $0x9000004A  }
0x41: {  	s0 =	sadd.s32 @!p0 $0x100000, s1;
	[bflag:$0x2] =	sbarrier.arrive $0xFFFF  }
0x42: {  	[sflag:s0] =	ssyncadd.tile.s32 @!p0 $0x1;
	_ =	shalt  }
.Lfunc_end1:
_tile_overlayer_lowered:
.L_overlay_start_2:
0x43: {  	(tag) =	ssettag $0x2  }
0x44: {  	s0 =	rddreg [dreg:$0x0];
	s2 =	stileid.u32  }
0x45: {  	s1 =	rddreg [dreg:$0x1];
	p0 =	sne.s32 s2, $0x0  }
0x46: {  	s3 =	rddreg [dreg:$0x2];
	[bflag:$0x3] =	sbarrier.arrive $0xFFFF;
	s2 =	simm.s32 @!p0 $0x1C01  }
0x47: {  	[timem:s3], [sflag:s2] =	dma.local @!p0 [hbm:s0], s1  }
0x48: {  	s0 =	simm.s32 @!p0 $0x1  }
0x49: {  	_ =	swait.ge @!p0 [sflag:s0], s1  }
0x4a: {  	s1 =	ssub.s32 @!p0 $0x0, s1;
	[sflag:s0] =	ssyncset.done @!p0 $0x0  }
0x4b: {  	[sflag:s0] =	ssyncadd.s32 @!p0 s1  }
0x4c: {  	[bflag:$0x3] =	sbarrier.arrive $0xFFFF  }
0x4d: {  	_ =	shalt  }

</sc_bundles>
